<compile_context>
chip_gen: v7x
topology: tpu7x:2x2x1
jax: 0.10.2.dev20260603
libtpu: 0.0.44.dev20260713+nightly
codegen_flags: <defaults>
</compile_context>

<pallas_src>
import functools

import jax
import jax.numpy as jnp
from jax.experimental import pallas as pl
from jax.experimental.pallas import tpu as pltpu
from jax.experimental.pallas import tpu_sc as plsc

B, S, D = 1, 2048, 1024
H, KVH, HD = 16, 4, 64
E, FF = 8, 1024
T = B * S
QKW = (H + KVH) * HD
QKVW = (H + 2 * KVH) * HD

BM_A = 256
BQ = 512
BM_M = 512
NB_M = T // BM_M

_BF = jnp.bfloat16
_F32 = jnp.float32


def _preattn_kernel(x_ref, w_ref, cos_ref, sin_ref, win_ref, qkw_ref,
                    q_ref, k_ref, v_ref):
    x = x_ref[...]
    h = x * jax.lax.rsqrt(jnp.mean(x * x, axis=-1, keepdims=True) + 1e-5)
    h = h * win_ref[...]
    qkv = jnp.dot(h.astype(_BF), w_ref[...], preferred_element_type=_F32)
    base = qkv[:, :QKW]
    vpart = qkv[:, QKW:QKVW]
    lane = jax.lax.broadcasted_iota(jnp.int32, (BM_A, QKW), 1)
    rot = jnp.where(lane % 2 == 0,
                    -pltpu.roll(base, QKW - 1, 1),
                    pltpu.roll(base, 1, 1))
    cosT = jnp.concatenate([cos_ref[...]] * (H + KVH), axis=1)
    sinT = jnp.concatenate([sin_ref[...]] * (H + KVH), axis=1)
    qk = base * cosT + rot * sinT
    lane = jax.lax.broadcasted_iota(jnp.int32, (QKW, H + KVH), 0)
    head = jax.lax.broadcasted_iota(jnp.int32, (QKW, H + KVH), 1)
    G = (lane // HD == head).astype(_F32)
    laneT = jax.lax.broadcasted_iota(jnp.int32, (H + KVH, QKW), 1)
    headT = jax.lax.broadcasted_iota(jnp.int32, (H + KVH, QKW), 0)
    GT = (laneT // HD == headT).astype(_F32)
    ms = jnp.dot(qk * qk, G, preferred_element_type=_F32) / HD
    bc = jnp.dot(jax.lax.rsqrt(ms + 1e-6), GT, preferred_element_type=_F32)
    qkn = qk * bc * qkw_ref[...]
    q_ref[...] = (qkn[:, : H * HD] * (HD ** -0.5)).astype(_BF)
    k_ref[...] = qkn[:, H * HD:].astype(_BF)
    v_ref[...] = vpart.astype(_BF)


def _attn_post_kernel(q_ref, k_ref, v_ref, wo_ref, x_ref, wpost_ref,
                      wrt_ref, res_ref, h2_ref, ids_ref, iw_ref):
    i = pl.program_id(0)
    g = pl.program_id(1)
    GQ = H // KVH
    q = q_ref[0].reshape(GQ * BQ, HD)

    def chunk(j, acc, masked):
        kc = k_ref[0, pl.ds(j * BQ, BQ), :]
        s = jax.lax.dot_general(q, kc, (((1,), (1,)), ((), ())),
                                preferred_element_type=_F32)
        if masked:
            r = jax.lax.broadcasted_iota(jnp.int32, (GQ * BQ, BQ), 0)
            c = jax.lax.broadcasted_iota(jnp.int32, (GQ * BQ, BQ), 1)
            s = jnp.where(c <= r % BQ, s, -1e30)
        p = jnp.exp(s).astype(_BF)
        vc = v_ref[0, pl.ds(j * BQ, BQ), :]
        return acc + jnp.dot(p, vc, preferred_element_type=_F32)

    init = jnp.zeros((GQ * BQ, HD + 1), _F32)
    acc = jax.lax.fori_loop(0, i, lambda j, c: chunk(j, c, False), init)
    acc = chunk(i, acc, True)
    outb = (acc[:, :HD] / acc[:, HD:HD + 1]).astype(_BF)

    y = jnp.zeros((BQ, D), _F32)
    for gq in range(GQ):
        rows = outb[gq * BQ:(gq + 1) * BQ]
        wsl = wo_ref[pl.ds((g * GQ + gq) * HD, HD), :]
        y = y + jnp.dot(rows, wsl, preferred_element_type=_F32)

    @pl.when(g == 0)
    def _first():
        res_ref[...] = x_ref[...] + y

    @pl.when(g > 0)
    def _acc():
        res_ref[...] += y

    @pl.when(g == KVH - 1)
    def _tail():
        resid = res_ref[...]
        h2 = resid * jax.lax.rsqrt(
            jnp.mean(resid * resid, axis=-1, keepdims=True) + 1e-5)
        h2 = h2 * wpost_ref[...]
        h2_ref[...] = h2
        logits = jnp.dot(h2, wrt_ref[...], preferred_element_type=_F32)
        mx = jnp.max(logits, axis=-1, keepdims=True)
        e_iota = jax.lax.broadcasted_iota(jnp.int32, logits.shape, 1)
        ids_ref[...] = jnp.min(jnp.where(logits == mx, e_iota, E),
                               axis=-1, keepdims=True)
        iw_ref[...] = jax.nn.sigmoid(mx)


def _expert_range(b, gs_ref):
    start = b * BM_M
    end = start + BM_M
    lo = jnp.zeros((), jnp.int32)
    cnt = jnp.zeros((), jnp.int32)
    for e in range(E):
        lo = lo + (gs_ref[e + 1] <= start).astype(jnp.int32)
        cnt = cnt + (gs_ref[e] < end).astype(jnp.int32)
    return lo, cnt - 1


def _moe_widx(b, j, gs_ref):
    lo, hi = _expert_range(b, gs_ref)
    return (jnp.clip(j - 1, lo, hi), 0, 0)


_FCH = 2


def _glu(x, w1_ref, w2_ref):
    fc = FF // _FCH
    y = jnp.zeros((x.shape[0], D), _F32)
    for f in range(_FCH):
        g = jnp.dot(x, w1_ref[:, f * fc:(f + 1) * fc].astype(_BF),
                    preferred_element_type=_F32)
        u = jnp.dot(x, w1_ref[:, FF + f * fc:FF + (f + 1) * fc].astype(_BF),
                    preferred_element_type=_F32)
        act = (jax.nn.silu(g) * u).astype(_BF)
        y = y + jnp.dot(act, w2_ref[f * fc:(f + 1) * fc, :].astype(_BF),
                        preferred_element_type=_F32)
    return y


def _moe_kernel(gs_ref, xp_ref, iw_ref, w1_ref, w2_ref,
                ws1_ref, ws2_ref, o_ref):
    b = pl.program_id(0)
    j = pl.program_id(1)

    @pl.when(j == 0)
    def _shared():
        x = xp_ref[...].astype(_BF)
        o_ref[...] = _glu(x, ws1_ref, ws2_ref)

    lo, hi = _expert_range(b, gs_ref)
    e = j - 1

    @pl.when((j > 0) & (e >= lo) & (e <= hi))
    def _routed():
        st = gs_ref[e + 1 - 1]
        en = gs_ref[e + 1]
        row = b * BM_M + jax.lax.broadcasted_iota(jnp.int32, (BM_M, 1), 0)
        msk = (row >= st) & (row < en)
        scale = jnp.where(msk, iw_ref[...], 0.0)
        x = (xp_ref[...] * scale).astype(_BF)
        y = _glu(x, w1_ref.at[0], w2_ref.at[0])
        o_ref[...] += y


_SC_NW = 32
_SC_BPW = T // _SC_NW


def _sc_gather1(t1, idx):
    mesh = plsc.VectorSubcoreMesh(core_axis_name="c", subcore_axis_name="s")

    @functools.partial(
        pl.kernel, mesh=mesh,
        out_type=jax.ShapeDtypeStruct((T, D), _F32),
        scratch_types=[pltpu.VMEM((_SC_BPW,), jnp.int32),
                       pltpu.VMEM((_SC_BPW, D), _F32),
                       pltpu.SemaphoreType.DMA],
    )
    def k(t1_hbm, idx_hbm, o1_hbm, idx_v, rows_v, sem):
        wid = jax.lax.axis_index("s") * 2 + jax.lax.axis_index("c")
        base = wid * _SC_BPW
        pltpu.sync_copy(idx_hbm.at[pl.ds(base, _SC_BPW)], idx_v)
        pltpu.async_copy(t1_hbm.at[idx_v], rows_v, sem).wait()
        pltpu.sync_copy(rows_v, o1_hbm.at[pl.ds(base, _SC_BPW)])

    return k(t1, idx)


def kernel(hidden_states, cos, sin, w_in, wqkv, qk_w, wo, w_post,
           w_router, w1, w2, ws1, ws2):
    x = hidden_states.reshape(T, D)

    cosp = jnp.repeat(cos[:, : HD // 2], 2, axis=1)
    sinp = jnp.repeat(sin[:, : HD // 2], 2, axis=1)
    wcat = wqkv.astype(_BF)
    qkw_t = jnp.tile(qk_w, H + KVH).reshape(1, QKW)
    win2 = w_in.reshape(1, D)

    q, k, v = pl.pallas_call(
        _preattn_kernel,
        grid=(T // BM_A,),
        in_specs=[
            pl.BlockSpec((BM_A, D), lambda i: (i, 0)),
            pl.BlockSpec((D, QKVW), lambda i: (0, 0)),
            pl.BlockSpec((BM_A, HD), lambda i: (i, 0)),
            pl.BlockSpec((BM_A, HD), lambda i: (i, 0)),
            pl.BlockSpec((1, D), lambda i: (0, 0)),
            pl.BlockSpec((1, QKW), lambda i: (0, 0)),
        ],
        out_specs=[
            pl.BlockSpec((BM_A, H * HD), lambda i: (i, 0)),
            pl.BlockSpec((BM_A, KVH * HD), lambda i: (i, 0)),
            pl.BlockSpec((BM_A, KVH * HD), lambda i: (i, 0)),
        ],
        out_shape=[
            jax.ShapeDtypeStruct((T, H * HD), _BF),
            jax.ShapeDtypeStruct((T, KVH * HD), _BF),
            jax.ShapeDtypeStruct((T, KVH * HD), _BF),
        ],
    )(x, wcat, cosp, sinp, win2, qkw_t)

    GQ = H // KVH
    q4 = q.reshape(T, KVH, GQ, HD).transpose(1, 2, 0, 3)
    k3 = k.reshape(T, KVH, HD).transpose(1, 0, 2)
    v3 = jnp.concatenate(
        [v.reshape(T, KVH, HD), jnp.ones((T, KVH, 1), _BF)],
        axis=-1).transpose(1, 0, 2)
    resid, h2, ids2, iw2 = pl.pallas_call(
        _attn_post_kernel,
        grid=(T // BQ, KVH),
        in_specs=[
            pl.BlockSpec((1, GQ, BQ, HD), lambda i, g: (g, 0, i, 0)),
            pl.BlockSpec((1, T, HD), lambda i, g: (g, 0, 0)),
            pl.BlockSpec((1, T, HD + 1), lambda i, g: (g, 0, 0)),
            pl.BlockSpec((H * HD, D), lambda i, g: (0, 0)),
            pl.BlockSpec((BQ, D), lambda i, g: (i, 0)),
            pl.BlockSpec((1, D), lambda i, g: (0, 0)),
            pl.BlockSpec((D, E), lambda i, g: (0, 0)),
        ],
        out_specs=[
            pl.BlockSpec((BQ, D), lambda i, g: (i, 0)),
            pl.BlockSpec((BQ, D), lambda i, g: (i, 0)),
            pl.BlockSpec((BQ, 1), lambda i, g: (i, 0)),
            pl.BlockSpec((BQ, 1), lambda i, g: (i, 0)),
        ],
        out_shape=[
            jax.ShapeDtypeStruct((T, D), _F32),
            jax.ShapeDtypeStruct((T, D), _F32),
            jax.ShapeDtypeStruct((T, 1), jnp.int32),
            jax.ShapeDtypeStruct((T, 1), _F32),
        ],
    )(q4, k3, v3, wo.astype(_BF), x, w_post.reshape(1, D), w_router.T)

    ids = ids2[:, 0]
    order = jnp.argsort(ids).astype(jnp.int32)
    ids_sorted = jnp.take(ids, order)
    gs = jnp.searchsorted(ids_sorted, jnp.arange(E + 1, dtype=jnp.int32),
                          side='left').astype(jnp.int32)
    h2s = _sc_gather1(h2, order)
    iws = jnp.take(iw2, order, axis=0)

    out_sorted = pl.pallas_call(
        _moe_kernel,
        grid_spec=pltpu.PrefetchScalarGridSpec(
            num_scalar_prefetch=1,
            grid=(NB_M, E + 1),
            in_specs=[
                pl.BlockSpec((BM_M, D), lambda b, j, gs_ref: (b, 0)),
                pl.BlockSpec((BM_M, 1), lambda b, j, gs_ref: (b, 0)),
                pl.BlockSpec((1, D, 2 * FF), _moe_widx),
                pl.BlockSpec((1, FF, D), _moe_widx),
                pl.BlockSpec((D, 2 * FF), lambda b, j, gs_ref: (0, 0)),
                pl.BlockSpec((FF, D), lambda b, j, gs_ref: (0, 0)),
            ],
            out_specs=pl.BlockSpec((BM_M, D), lambda b, j, gs_ref: (b, 0)),
        ),
        out_shape=jax.ShapeDtypeStruct((T, D), _F32),
    )(gs, h2s, iws, w1, w2, ws1.astype(_BF), ws2.astype(_BF))

    inv = jnp.argsort(order).astype(jnp.int32)
    final = resid + _sc_gather1(out_sorted, inv)
    return final.reshape(B, S, D)

# --- scband reference (transcript-rebuilt; emitter-appended) ---
"""Pipeline reference for scband-llama4-text-decoder-layer-29892972380386 (READ-ONLY COPY).

The authoritative reference and input builder live on the scoring server;
editing this copy changes nothing except your own understanding.
"""

import jax, jax.numpy as jnp
import numpy as np

B, S, D = 1, 2048, 1024
H, KVH, HD = 16, 4, 64
E, FF = 8, 1024
EPS = 1e-05

def rmsnorm(x, w, eps):
    return x * jax.lax.rsqrt(jnp.mean(x * x, axis=-1, keepdims=True) + eps) * w

def deinterleave(x):
    s = x.shape
    return x.reshape(s[:-1] + (-1, 2)).swapaxes(-1, -2).reshape(s)

def interleave(x):
    s = x.shape
    return x.reshape(s[:-1] + (2, -1)).swapaxes(-1, -2).reshape(s)

def rope(x, cos, sin):
    x1, x2 = jnp.split(x, 2, axis=-1)
    rot = jnp.concatenate([-x2, x1], axis=-1)
    return x * cos[:, None, :] + rot * sin[:, None, :]

def setup_inputs(seed: int = 0):
    key = jax.random.key(seed)
    ks = jax.random.split(key, 12)
    hidden_states = jax.random.normal(ks[0], (B, S, D), jnp.float32)
    pos = jnp.arange(S, dtype=jnp.float32)
    inv_freq = 1.0 / (500000.0 ** (jnp.arange(0, HD, 2, dtype=jnp.float32) / HD))
    ang = pos[:, None] * inv_freq[None, :]
    cos = jnp.concatenate([jnp.cos(ang), jnp.cos(ang)], axis=-1)
    sin = jnp.concatenate([jnp.sin(ang), jnp.sin(ang)], axis=-1)
    sc = 0.02
    wqkv = jax.random.normal(ks[1], (D, (H + 2 * KVH) * HD), jnp.float32) * sc
    wo = jax.random.normal(ks[2], (H * HD, D), jnp.float32) * sc
    w_in = jnp.ones((D,), jnp.float32)
    w_post = jnp.ones((D,), jnp.float32)
    qk_w = jnp.ones((HD,), jnp.float32)
    w_router = jax.random.normal(ks[3], (E, D), jnp.float32) * sc
    w1 = jax.random.normal(ks[4], (E, D, 2 * FF), jnp.float32) * sc
    w2 = jax.random.normal(ks[5], (E, FF, D), jnp.float32) * sc
    ws1 = jax.random.normal(ks[6], (D, 2 * FF), jnp.float32) * sc
    ws2 = jax.random.normal(ks[7], (FF, D), jnp.float32) * sc
    return {"hidden_states": hidden_states, "cos": cos, "sin": sin, "w_in": w_in, "wqkv": wqkv, "qk_w": qk_w, "wo": wo, "w_post": w_post, "w_router": w_router, "w1": w1, "w2": w2, "ws1": ws1, "ws2": ws2}

def _forward(hidden_states, cos, sin, w_in, wqkv, qk_w, wo, w_post, w_router, w1, w2, ws1, ws2, ids=None):
    T = B * S
    x = hidden_states.reshape(T, D)
    residual = x
    h = rmsnorm(x, w_in, EPS)
    qkv = h @ wqkv
    q = qkv[:, : H * HD].reshape(T, H, HD)
    k = qkv[:, H * HD : (H + KVH) * HD].reshape(T, KVH, HD)
    v = qkv[:, (H + KVH) * HD :].reshape(T, KVH, HD)
    q = interleave(rope(deinterleave(q), cos, sin))
    k = interleave(rope(deinterleave(k), cos, sin))
    q = rmsnorm(q, qk_w, 1e-06)
    k = rmsnorm(k, qk_w, 1e-06)
    k = jnp.repeat(k, H // KVH, axis=1)
    v = jnp.repeat(v, H // KVH, axis=1)
    scores = jnp.einsum('thd,shd->hts', q, k) * (HD ** -0.5)
    mask = jnp.tril(jnp.ones((T, T), dtype=bool))
    scores = jnp.where(mask[None], scores, -1e30)
    probs = jax.nn.softmax(scores, axis=-1)
    attn = jnp.einsum('hts,shd->thd', probs, v).reshape(T, H * HD)
    attn_out = attn @ wo
    residual = residual + attn_out
    h2 = rmsnorm(residual, w_post, EPS)
    router_logits = h2 @ w_router.T
    if ids is None:
        ids = jnp.argmax(router_logits, axis=-1)
    topk_ids = jnp.asarray(ids)[:, None]
    topk_w = jnp.take_along_axis(router_logits, topk_ids, axis=-1)
    input_weight = jax.nn.sigmoid(topk_w)
    moe_h = h2 * input_weight
    out = jnp.zeros((T, D), h2.dtype)
    for e in range(E):
        sel = (ids == e)[:, None]
        xe = jnp.where(sel, moe_h, 0.0)
        gu = xe @ w1[e]
        g, u = jnp.split(gu, 2, axis=-1)
        out = out + jnp.where(sel, (jax.nn.silu(g) * u) @ w2[e], 0.0)
    gu = h2 @ ws1
    g, u = jnp.split(gu, 2, axis=-1)
    out = out + (jax.nn.silu(g) * u) @ ws2
    final = residual + out
    return final.reshape(B, S, D), ids

def reference(hidden_states, cos, sin, w_in, wqkv, qk_w, wo, w_post, w_router, w1, w2, ws1, ws2):
    out, _ = _forward(hidden_states, cos, sin, w_in, wqkv, qk_w, wo, w_post, w_router, w1, w2, ws1, ws2)
    return out

if __name__ == "__main__":
    import jax
    _d = setup_inputs()
    print(jax.jit(kernel)(*tuple(_d.values())))

</pallas_src>

<mosaic_0001>
#map = affine_map<(d0, d1) -> (0, 0)>
#map1 = affine_map<(d0, d1) -> (0)>
module attributes {stable_mosaic.version = 14 : i64} {
  func.func @k(%arg0: i32, %arg1: i32, %arg2: memref<2048x1024xf32, #tpu.memory_space<hbm>>, %arg3: memref<2048xi32, #tpu.memory_space<hbm>>, %arg4: memref<2048x1024xf32, #tpu.memory_space<hbm>>, %arg5: memref<64xi32, #tpu.memory_space<vmem>>, %arg6: memref<64x1024xf32, #tpu.memory_space<vmem>>, %arg7: memref<!tpu.dma_semaphore, #tpu.memory_space<semaphore_mem>>) attributes {dimension_semantics = [#tpu.dimension_semantics<core_parallel>, #tpu.dimension_semantics<subcore_parallel>], iteration_bounds = array<i64: 2, 16>, scalar_prefetch = 0 : i64, scratch_operands = 3 : i64, tpu.core_type = #tpu.core_type<sc_vector_subcore>, window_params = [{transform_indices = #map}, {transform_indices = #map1}, {transform_indices = #map}]} {
    %mul3A = arith.constant 2 : i32
    %mul3A_0 = arith.muli %arg1, %mul3A : i32
    %add3A = arith.addi %mul3A_0, %arg0 : i32
    %mul3A_1 = arith.constant 64 : i32
    %mul3A_2 = arith.muli %add3A, %mul3A_1 : i32
    "tpu.region"() ({
      %run_scoped3A = tpu.sem_alloc : memref<!tpu.dma_semaphore, #tpu.memory_space<semaphore_mem>>
      %dma_start3A_7 = tpu.memref_slice %arg3[%mul3A_2] : memref<2048xi32, #tpu.memory_space<hbm>> -> memref<64xi32, #tpu.memory_space<hbm>>
      %dma_start3A_8 = tpu.memref_slice %arg3[%mul3A_2] : memref<2048xi32, #tpu.memory_space<hbm>> -> memref<64xi32, #tpu.memory_space<hbm>>
      tpu.enqueue_dma source(%dma_start3A_8 : memref<64xi32, #tpu.memory_space<hbm>>) target(%arg5 : memref<64xi32, #tpu.memory_space<vmem>>) target_semaphore(%run_scoped3A : memref<!tpu.dma_semaphore, #tpu.memory_space<semaphore_mem>>)
      %dma_wait3A_9 = tpu.memref_slice %arg3[%mul3A_2] : memref<2048xi32, #tpu.memory_space<hbm>> -> memref<64xi32, #tpu.memory_space<hbm>>
      %dma_wait3A_10 = tpu.memref_slice %arg3[%mul3A_2] : memref<2048xi32, #tpu.memory_space<hbm>> -> memref<64xi32, #tpu.memory_space<hbm>>
      tpu.wait_dma2 semaphore(%run_scoped3A : memref<!tpu.dma_semaphore, #tpu.memory_space<semaphore_mem>>) src(%dma_wait3A_10 : memref<64xi32, #tpu.memory_space<hbm>>) dst(%arg5 : memref<64xi32, #tpu.memory_space<vmem>>)
      tpu.yield
    }) : () -> ()
    %dma_start3A = arith.constant 0 : i32
    %dma_start3A_3 = arith.constant 0 : i32
    %dma_start3A_4 = tpu.memref_slice %arg2[%dma_start3A, %dma_start3A_3] : memref<2048x1024xf32, #tpu.memory_space<hbm>> -> memref<2048x1024xf32, #tpu.memory_space<hbm>>
    tpu.enqueue_indirect_dma source(%dma_start3A_4 : memref<2048x1024xf32, #tpu.memory_space<hbm>>) target(%arg6 : memref<64x1024xf32, #tpu.memory_space<vmem>>) offsets(%arg5 : memref<64xi32, #tpu.memory_space<vmem>>) semaphore(%arg7 : memref<!tpu.dma_semaphore, #tpu.memory_space<semaphore_mem>>)
    %dma_wait3A = arith.constant 0 : i32
    %dma_wait3A_5 = arith.constant 0 : i32
    %dma_wait3A_6 = tpu.memref_slice %arg2[%dma_wait3A, %dma_wait3A_5] : memref<2048x1024xf32, #tpu.memory_space<hbm>> -> memref<2048x1024xf32, #tpu.memory_space<hbm>>
    tpu.wait_indirect_dma semaphore(%arg7 : memref<!tpu.dma_semaphore, #tpu.memory_space<semaphore_mem>>) src(%dma_wait3A_6 : memref<2048x1024xf32, #tpu.memory_space<hbm>>) dst(%arg6 : memref<64x1024xf32, #tpu.memory_space<vmem>>)
    "tpu.region"() ({
      %run_scoped3A = tpu.sem_alloc : memref<!tpu.dma_semaphore, #tpu.memory_space<semaphore_mem>>
      %dma_start3A_7 = arith.constant 0 : i32
      %dma_start3A_8 = tpu.memref_slice %arg4[%mul3A_2, %dma_start3A_7] : memref<2048x1024xf32, #tpu.memory_space<hbm>> -> memref<64x1024xf32, #tpu.memory_space<hbm>>
      %dma_start3A_9 = arith.constant 0 : i32
      %dma_start3A_10 = tpu.memref_slice %arg4[%mul3A_2, %dma_start3A_9] : memref<2048x1024xf32, #tpu.memory_space<hbm>> -> memref<64x1024xf32, #tpu.memory_space<hbm>>
      tpu.enqueue_dma source(%arg6 : memref<64x1024xf32, #tpu.memory_space<vmem>>) target(%dma_start3A_10 : memref<64x1024xf32, #tpu.memory_space<hbm>>) target_semaphore(%run_scoped3A : memref<!tpu.dma_semaphore, #tpu.memory_space<semaphore_mem>>)
      %dma_wait3A_11 = arith.constant 0 : i32
      %dma_wait3A_12 = tpu.memref_slice %arg4[%mul3A_2, %dma_wait3A_11] : memref<2048x1024xf32, #tpu.memory_space<hbm>> -> memref<64x1024xf32, #tpu.memory_space<hbm>>
      %dma_wait3A_13 = arith.constant 0 : i32
      %dma_wait3A_14 = tpu.memref_slice %arg4[%mul3A_2, %dma_wait3A_13] : memref<2048x1024xf32, #tpu.memory_space<hbm>> -> memref<64x1024xf32, #tpu.memory_space<hbm>>
      tpu.wait_dma2 semaphore(%run_scoped3A : memref<!tpu.dma_semaphore, #tpu.memory_space<semaphore_mem>>) src(%arg6 : memref<64x1024xf32, #tpu.memory_space<vmem>>) dst(%dma_wait3A_14 : memref<64x1024xf32, #tpu.memory_space<hbm>>)
      tpu.yield
    }) : () -> ()
    return
  }
}

#map = affine_map<(d0, d1) -> (0, 0)>
#map1 = affine_map<(d0, d1) -> (0)>
module attributes {stable_mosaic.version = 14 : i64} {
  func.func @k(%arg0: i32, %arg1: i32, %arg2: memref<2048x1024xf32, #tpu.memory_space<hbm>>, %arg3: memref<2048xi32, #tpu.memory_space<hbm>>, %arg4: memref<2048x1024xf32, #tpu.memory_space<hbm>>, %arg5: memref<64xi32, #tpu.memory_space<vmem>>, %arg6: memref<64x1024xf32, #tpu.memory_space<vmem>>, %arg7: memref<!tpu.dma_semaphore, #tpu.memory_space<semaphore_mem>>) attributes {dimension_semantics = [#tpu.dimension_semantics<core_parallel>, #tpu.dimension_semantics<subcore_parallel>], iteration_bounds = array<i64: 2, 16>, scalar_prefetch = 0 : i64, scratch_operands = 3 : i64, tpu.core_type = #tpu.core_type<sc_vector_subcore>, window_params = [{transform_indices = #map}, {transform_indices = #map1}, {transform_indices = #map}]} {
    %mul3A = arith.constant 2 : i32
    %mul3A_0 = arith.muli %arg1, %mul3A : i32
    %add3A = arith.addi %mul3A_0, %arg0 : i32
    %mul3A_1 = arith.constant 64 : i32
    %mul3A_2 = arith.muli %add3A, %mul3A_1 : i32
    "tpu.region"() ({
      %run_scoped3A = tpu.sem_alloc : memref<!tpu.dma_semaphore, #tpu.memory_space<semaphore_mem>>
      %dma_start3A_7 = tpu.memref_slice %arg3[%mul3A_2] : memref<2048xi32, #tpu.memory_space<hbm>> -> memref<64xi32, #tpu.memory_space<hbm>>
      %dma_start3A_8 = tpu.memref_slice %arg3[%mul3A_2] : memref<2048xi32, #tpu.memory_space<hbm>> -> memref<64xi32, #tpu.memory_space<hbm>>
      tpu.enqueue_dma source(%dma_start3A_8 : memref<64xi32, #tpu.memory_space<hbm>>) target(%arg5 : memref<64xi32, #tpu.memory_space<vmem>>) target_semaphore(%run_scoped3A : memref<!tpu.dma_semaphore, #tpu.memory_space<semaphore_mem>>)
      %dma_wait3A_9 = tpu.memref_slice %arg3[%mul3A_2] : memref<2048xi32, #tpu.memory_space<hbm>> -> memref<64xi32, #tpu.memory_space<hbm>>
      %dma_wait3A_10 = tpu.memref_slice %arg3[%mul3A_2] : memref<2048xi32, #tpu.memory_space<hbm>> -> memref<64xi32, #tpu.memory_space<hbm>>
      tpu.wait_dma2 semaphore(%run_scoped3A : memref<!tpu.dma_semaphore, #tpu.memory_space<semaphore_mem>>) src(%dma_wait3A_10 : memref<64xi32, #tpu.memory_space<hbm>>) dst(%arg5 : memref<64xi32, #tpu.memory_space<vmem>>)
      tpu.yield
    }) : () -> ()
    %dma_start3A = arith.constant 0 : i32
    %dma_start3A_3 = arith.constant 0 : i32
    %dma_start3A_4 = tpu.memref_slice %arg2[%dma_start3A, %dma_start3A_3] : memref<2048x1024xf32, #tpu.memory_space<hbm>> -> memref<2048x1024xf32, #tpu.memory_space<hbm>>
    tpu.enqueue_indirect_dma source(%dma_start3A_4 : memref<2048x1024xf32, #tpu.memory_space<hbm>>) target(%arg6 : memref<64x1024xf32, #tpu.memory_space<vmem>>) offsets(%arg5 : memref<64xi32, #tpu.memory_space<vmem>>) semaphore(%arg7 : memref<!tpu.dma_semaphore, #tpu.memory_space<semaphore_mem>>)
    %dma_wait3A = arith.constant 0 : i32
    %dma_wait3A_5 = arith.constant 0 : i32
    %dma_wait3A_6 = tpu.memref_slice %arg2[%dma_wait3A, %dma_wait3A_5] : memref<2048x1024xf32, #tpu.memory_space<hbm>> -> memref<2048x1024xf32, #tpu.memory_space<hbm>>
    tpu.wait_indirect_dma semaphore(%arg7 : memref<!tpu.dma_semaphore, #tpu.memory_space<semaphore_mem>>) src(%dma_wait3A_6 : memref<2048x1024xf32, #tpu.memory_space<hbm>>) dst(%arg6 : memref<64x1024xf32, #tpu.memory_space<vmem>>)
    "tpu.region"() ({
      %run_scoped3A = tpu.sem_alloc : memref<!tpu.dma_semaphore, #tpu.memory_space<semaphore_mem>>
      %dma_start3A_7 = arith.constant 0 : i32
      %dma_start3A_8 = tpu.memref_slice %arg4[%mul3A_2, %dma_start3A_7] : memref<2048x1024xf32, #tpu.memory_space<hbm>> -> memref<64x1024xf32, #tpu.memory_space<hbm>>
      %dma_start3A_9 = arith.constant 0 : i32
      %dma_start3A_10 = tpu.memref_slice %arg4[%mul3A_2, %dma_start3A_9] : memref<2048x1024xf32, #tpu.memory_space<hbm>> -> memref<64x1024xf32, #tpu.memory_space<hbm>>
      tpu.enqueue_dma source(%arg6 : memref<64x1024xf32, #tpu.memory_space<vmem>>) target(%dma_start3A_10 : memref<64x1024xf32, #tpu.memory_space<hbm>>) target_semaphore(%run_scoped3A : memref<!tpu.dma_semaphore, #tpu.memory_space<semaphore_mem>>)
      %dma_wait3A_11 = arith.constant 0 : i32
      %dma_wait3A_12 = tpu.memref_slice %arg4[%mul3A_2, %dma_wait3A_11] : memref<2048x1024xf32, #tpu.memory_space<hbm>> -> memref<64x1024xf32, #tpu.memory_space<hbm>>
      %dma_wait3A_13 = arith.constant 0 : i32
      %dma_wait3A_14 = tpu.memref_slice %arg4[%mul3A_2, %dma_wait3A_13] : memref<2048x1024xf32, #tpu.memory_space<hbm>> -> memref<64x1024xf32, #tpu.memory_space<hbm>>
      tpu.wait_dma2 semaphore(%run_scoped3A : memref<!tpu.dma_semaphore, #tpu.memory_space<semaphore_mem>>) src(%arg6 : memref<64x1024xf32, #tpu.memory_space<vmem>>) dst(%dma_wait3A_14 : memref<64x1024xf32, #tpu.memory_space<hbm>>)
      tpu.yield
    }) : () -> ()
    return
  }
}

module attributes {stable_mosaic.version = 14 : i64} {
  func.func @_preattn_kernel(%arg0: i32, %arg1: memref<256x1024xf32, #tpu.memory_space<vmem>>, %arg2: memref<1024x1536xbf16, #tpu.memory_space<vmem>>, %arg3: memref<256x64xf32, #tpu.memory_space<vmem>>, %arg4: memref<256x64xf32, #tpu.memory_space<vmem>>, %arg5: memref<1x1024xf32, #tpu.memory_space<vmem>>, %arg6: memref<1x1280xf32, #tpu.memory_space<vmem>>, %arg7: memref<256x1024xbf16, #tpu.memory_space<vmem>>, %arg8: memref<256x256xbf16, #tpu.memory_space<vmem>>, %arg9: memref<256x256xbf16, #tpu.memory_space<vmem>>) attributes {dimension_semantics = [#tpu.dimension_semantics<arbitrary>], iteration_bounds = array<i64: 8>, scalar_prefetch = 0 : i64, scratch_operands = 0 : i64, tpu.core_type = #tpu.core_type<tc>, window_params = [{transform_indices = @transform_0, window_bounds = array<i64: 256, 1024>}, {pipeline_mode = #tpu.pipeline_mode<synchronous>, transform_indices = @transform_1, window_bounds = array<i64: 1024, 1536>}, {transform_indices = @transform_2, window_bounds = array<i64: 256, 64>}, {transform_indices = @transform_3, window_bounds = array<i64: 256, 64>}, {pipeline_mode = #tpu.pipeline_mode<synchronous>, transform_indices = @transform_4, window_bounds = array<i64: 1, 1024>}, {pipeline_mode = #tpu.pipeline_mode<synchronous>, transform_indices = @transform_5, window_bounds = array<i64: 1, 1280>}, {transform_indices = @transform_6, window_bounds = array<i64: 256, 1024>}, {transform_indices = @transform_7, window_bounds = array<i64: 256, 256>}, {transform_indices = @transform_8, window_bounds = array<i64: 256, 256>}]} {
    %get3A = arith.constant 0 : index
    %get3A_0 = arith.constant 0 : index
    %get3A_1 = vector.load %arg1[%get3A, %get3A_0] : memref<256x1024xf32, #tpu.memory_space<vmem>>, vector<256x1024xf32>
    %mul3A = arith.mulf %get3A_1, %get3A_1 : vector<256x1024xf32>
    %reduce_sum3A = arith.constant dense<0.000000e+00> : vector<256xf32>
    %reduce_sum3A_2 = vector.multi_reduction <add>, %mul3A, %reduce_sum3A [1] : vector<256x1024xf32> to vector<256xf32>
    %broadcast_in_dim3A = vector.shape_cast %reduce_sum3A_2 : vector<256xf32> to vector<256x1xf32>
    %div3A = arith.constant 1.024000e+03 : f32
    %div3A_3 = vector.broadcast %div3A : f32 to vector<256x1xf32>
    %div3A_4 = arith.divf %broadcast_in_dim3A, %div3A_3 : vector<256x1xf32>
    %add3A = arith.constant 9.99999974E-6 : f32
    %add3A_5 = vector.broadcast %add3A : f32 to vector<256x1xf32>
    %add3A_6 = arith.addf %div3A_4, %add3A_5 : vector<256x1xf32>
    %rsqrt3A = math.rsqrt %add3A_6 : vector<256x1xf32>
    %mul3A_7 = vector.broadcast %rsqrt3A : vector<256x1xf32> to vector<256x1024xf32>
    %mul3A_8 = arith.mulf %get3A_1, %mul3A_7 : vector<256x1024xf32>
    %get3A_9 = arith.constant 0 : index
    %get3A_10 = arith.constant 0 : index
    %get3A_11 = vector.load %arg5[%get3A_9, %get3A_10] : memref<1x1024xf32, #tpu.memory_space<vmem>>, vector<1x1024xf32>
    %mul3A_12 = vector.broadcast %get3A_11 : vector<1x1024xf32> to vector<256x1024xf32>
    %mul3A_13 = arith.mulf %mul3A_8, %mul3A_12 : vector<256x1024xf32>
    %convert_element_type3A = arith.truncf %mul3A_13 : vector<256x1024xf32> to vector<256x1024xbf16>
    %get3A_14 = arith.constant 0 : index
    %get3A_15 = arith.constant 0 : index
    %get3A_16 = vector.load %arg2[%get3A_14, %get3A_15] : memref<1024x1536xbf16, #tpu.memory_space<vmem>>, vector<1024x1536xbf16>
    %dot_general3A = arith.constant dense<0.000000e+00> : vector<256x1536xf32>
    %dot_general3A_17 = tpu.matmul %convert_element_type3A, %get3A_16, %dot_general3A {dimension_numbers = #tpu.dot_dimension_numbers<[1], [0], [0], [1], [0, 0, 1, 1], [], []>, transpose_lhs_hint = false} : vector<256x1024xbf16>, vector<1024x1536xbf16>, vector<256x1536xf32> -> vector<256x1536xf32>
    %slice3A = vector.extract_strided_slice %dot_general3A_17 {offsets = [0, 0], sizes = [256, 1280], strides = [1, 1]} : vector<256x1536xf32> to vector<256x1280xf32>
    %slice3A_18 = vector.extract_strided_slice %dot_general3A_17 {offsets = [0, 1280], sizes = [256, 256], strides = [1, 1]} : vector<256x1536xf32> to vector<256x256xf32>
    %iota3A = tpu.iota {dimensions = array<i32: 1>} : vector<256x1280xi32>
    %jit3A = arith.constant 2 : i32
    %eq3A = arith.constant 0 : i32
    %eq3A_19 = arith.cmpi eq, %jit3A, %eq3A : i32
    %jit3A_20 = arith.constant 1 : i32
    %select_n3A = arith.select %eq3A_19, %jit3A_20, %jit3A : i32
    %rem3A = vector.broadcast %select_n3A : i32 to vector<256x1280xi32>
    %rem3A_21 = arith.remsi %iota3A, %rem3A : vector<256x1280xi32>
    %ne3A = arith.constant 0 : i32
    %ne3A_22 = vector.broadcast %ne3A : i32 to vector<256x1280xi32>
    %ne3A_23 = arith.cmpi ne, %rem3A_21, %ne3A_22 : vector<256x1280xi32>
    %lt3A = arith.constant 0 : i32
    %lt3A_24 = vector.broadcast %lt3A : i32 to vector<256x1280xi32>
    %lt3A_25 = arith.cmpi slt, %rem3A_21, %lt3A_24 : vector<256x1280xi32>
    %lt3A_26 = arith.constant 0 : i32
    %lt3A_27 = arith.cmpi slt, %select_n3A, %lt3A_26 : i32
    %ne3A_28 = vector.broadcast %lt3A_27 : i1 to vector<256x1280xi1>
    %ne3A_29 = vector.broadcast %ne3A_28 : vector<256x1280xi1> to vector<256x1280xi1>
    %ne3A_30 = arith.xori %lt3A_25, %ne3A_29 : vector<256x1280xi1>
    %and3A = arith.andi %ne3A_30, %ne3A_23 : vector<256x1280xi1>
    %add3A_31 = vector.broadcast %select_n3A : i32 to vector<256x1280xi32>
    %add3A_32 = arith.addi %rem3A_21, %add3A_31 : vector<256x1280xi32>
    %select_n3A_33 = arith.select %and3A, %add3A_32, %rem3A_21 : vector<256x1280xi1>, vector<256x1280xi32>
    %eq3A_34 = arith.constant 0 : i32
    %eq3A_35 = vector.broadcast %eq3A_34 : i32 to vector<256x1280xi32>
    %eq3A_36 = arith.cmpi eq, %select_n3A_33, %eq3A_35 : vector<256x1280xi32>
    %roll3A = arith.constant 1279 : i32
    %roll3A_37 = tpu.dynamic_rotate %slice3A by %roll3A dim 1 : vector<256x1280xf32>, i32 -> vector<256x1280xf32>
    %neg3A = arith.constant 0.000000e+00 : f32
    %neg3A_38 = vector.broadcast %neg3A : f32 to vector<256x1280xf32>
    %neg3A_39 = arith.subf %neg3A_38, %roll3A_37 : vector<256x1280xf32>
    %roll3A_40 = arith.constant 1 : i32
    %roll3A_41 = tpu.dynamic_rotate %slice3A by %roll3A_40 dim 1 : vector<256x1280xf32>, i32 -> vector<256x1280xf32>
    %select_n3A_42 = arith.select %eq3A_36, %neg3A_39, %roll3A_41 : vector<256x1280xi1>, vector<256x1280xf32>
    %get3A_43 = arith.constant 0 : index
    %get3A_44 = arith.constant 0 : index
    %get3A_45 = vector.load %arg3[%get3A_43, %get3A_44] : memref<256x64xf32, #tpu.memory_space<vmem>>, vector<256x64xf32>
    %concatenate3A = tpu.concatenate %get3A_45, %get3A_45, %get3A_45, %get3A_45, %get3A_45, %get3A_45, %get3A_45, %get3A_45, %get3A_45, %get3A_45, %get3A_45, %get3A_45, %get3A_45, %get3A_45, %get3A_45, %get3A_45, %get3A_45, %get3A_45, %get3A_45, %get3A_45 in 1 : vector<256x64xf32>, vector<256x64xf32>, vector<256x64xf32>, vector<256x64xf32>, vector<256x64xf32>, vector<256x64xf32>, vector<256x64xf32>, vector<256x64xf32>, vector<256x64xf32>, vector<256x64xf32>, vector<256x64xf32>, vector<256x64xf32>, vector<256x64xf32>, vector<256x64xf32>, vector<256x64xf32>, vector<256x64xf32>, vector<256x64xf32>, vector<256x64xf32>, vector<256x64xf32>, vector<256x64xf32> -> vector<256x1280xf32>
    %get3A_46 = arith.constant 0 : index
    %get3A_47 = arith.constant 0 : index
    %get3A_48 = vector.load %arg4[%get3A_46, %get3A_47] : memref<256x64xf32, #tpu.memory_space<vmem>>, vector<256x64xf32>
    %concatenate3A_49 = tpu.concatenate %get3A_48, %get3A_48, %get3A_48, %get3A_48, %get3A_48, %get3A_48, %get3A_48, %get3A_48, %get3A_48, %get3A_48, %get3A_48, %get3A_48, %get3A_48, %get3A_48, %get3A_48, %get3A_48, %get3A_48, %get3A_48, %get3A_48, %get3A_48 in 1 : vector<256x64xf32>, vector<256x64xf32>, vector<256x64xf32>, vector<256x64xf32>, vector<256x64xf32>, vector<256x64xf32>, vector<256x64xf32>, vector<256x64xf32>, vector<256x64xf32>, vector<256x64xf32>, vector<256x64xf32>, vector<256x64xf32>, vector<256x64xf32>, vector<256x64xf32>, vector<256x64xf32>, vector<256x64xf32>, vector<256x64xf32>, vector<256x64xf32>, vector<256x64xf32>, vector<256x64xf32> -> vector<256x1280xf32>
    %mul3A_50 = arith.mulf %slice3A, %concatenate3A : vector<256x1280xf32>
    %mul3A_51 = arith.mulf %select_n3A_42, %concatenate3A_49 : vector<256x1280xf32>
    %add3A_52 = arith.addf %mul3A_50, %mul3A_51 : vector<256x1280xf32>
    %iota3A_53 = tpu.iota {dimensions = array<i32: 0>} : vector<1280x20xi32>
    %iota3A_54 = tpu.iota {dimensions = array<i32: 1>} : vector<1280x20xi32>
    %jit3A_55 = arith.constant 64 : i32
    %div3A_56 = vector.broadcast %jit3A_55 : i32 to vector<1280x20xi32>
    %div3A_57 = arith.divsi %iota3A_53, %div3A_56 : vector<1280x20xi32>
    %sign3A = arith.constant 0 : i32
    %sign3A_58 = vector.broadcast %sign3A : i32 to vector<1280x20xi32>
    %sign3A_59 = arith.cmpi sgt, %iota3A_53, %sign3A_58 : vector<1280x20xi32>
    %sign3A_60 = arith.extui %sign3A_59 : vector<1280x20xi1> to vector<1280x20xi32>
    %sign3A_61 = arith.constant 0 : i32
    %sign3A_62 = vector.broadcast %sign3A_61 : i32 to vector<1280x20xi32>
    %sign3A_63 = arith.cmpi slt, %iota3A_53, %sign3A_62 : vector<1280x20xi32>
    %sign3A_64 = arith.extui %sign3A_63 : vector<1280x20xi1> to vector<1280x20xi32>
    %sign3A_65 = arith.subi %sign3A_60, %sign3A_64 : vector<1280x20xi32>
    %sign3A_66 = arith.constant 0 : i32
    %sign3A_67 = arith.cmpi sgt, %jit3A_55, %sign3A_66 : i32
    %sign3A_68 = arith.extui %sign3A_67 : i1 to i32
    %sign3A_69 = arith.constant 0 : i32
    %sign3A_70 = arith.cmpi slt, %jit3A_55, %sign3A_69 : i32
    %sign3A_71 = arith.extui %sign3A_70 : i1 to i32
    %sign3A_72 = arith.subi %sign3A_68, %sign3A_71 : i32
    %ne3A_73 = vector.broadcast %sign3A_72 : i32 to vector<1280x20xi32>
    %ne3A_74 = arith.cmpi ne, %sign3A_65, %ne3A_73 : vector<1280x20xi32>
    %rem3A_75 = vector.broadcast %jit3A_55 : i32 to vector<1280x20xi32>
    %rem3A_76 = arith.remsi %iota3A_53, %rem3A_75 : vector<1280x20xi32>
    %ne3A_77 = arith.constant 0 : i32
    %ne3A_78 = vector.broadcast %ne3A_77 : i32 to vector<1280x20xi32>
    %ne3A_79 = arith.cmpi ne, %rem3A_76, %ne3A_78 : vector<1280x20xi32>
    %and3A_80 = arith.andi %ne3A_74, %ne3A_79 : vector<1280x20xi1>
    %sub3A = arith.constant 1 : i32
    %sub3A_81 = vector.broadcast %sub3A : i32 to vector<1280x20xi32>
    %sub3A_82 = arith.subi %div3A_57, %sub3A_81 : vector<1280x20xi32>
    %select_n3A_83 = arith.select %and3A_80, %sub3A_82, %div3A_57 : vector<1280x20xi1>, vector<1280x20xi32>
    %eq3A_84 = arith.cmpi eq, %select_n3A_83, %iota3A_54 : vector<1280x20xi32>
    %convert_element_type3A_85 = arith.extui %eq3A_84 : vector<1280x20xi1> to vector<1280x20xi32>
    %convert_element_type3A_86 = arith.sitofp %convert_element_type3A_85 : vector<1280x20xi32> to vector<1280x20xf32>
    %iota3A_87 = tpu.iota {dimensions = array<i32: 1>} : vector<20x1280xi32>
    %iota3A_88 = tpu.iota {dimensions = array<i32: 0>} : vector<20x1280xi32>
    %jit3A_89 = arith.constant 64 : i32
    %div3A_90 = vector.broadcast %jit3A_89 : i32 to vector<20x1280xi32>
    %div3A_91 = arith.divsi %iota3A_87, %div3A_90 : vector<20x1280xi32>
    %sign3A_92 = arith.constant 0 : i32
    %sign3A_93 = vector.broadcast %sign3A_92 : i32 to vector<20x1280xi32>
    %sign3A_94 = arith.cmpi sgt, %iota3A_87, %sign3A_93 : vector<20x1280xi32>
    %sign3A_95 = arith.extui %sign3A_94 : vector<20x1280xi1> to vector<20x1280xi32>
    %sign3A_96 = arith.constant 0 : i32
    %sign3A_97 = vector.broadcast %sign3A_96 : i32 to vector<20x1280xi32>
    %sign3A_98 = arith.cmpi slt, %iota3A_87, %sign3A_97 : vector<20x1280xi32>
    %sign3A_99 = arith.extui %sign3A_98 : vector<20x1280xi1> to vector<20x1280xi32>
    %sign3A_100 = arith.subi %sign3A_95, %sign3A_99 : vector<20x1280xi32>
    %sign3A_101 = arith.constant 0 : i32
    %sign3A_102 = arith.cmpi sgt, %jit3A_89, %sign3A_101 : i32
    %sign3A_103 = arith.extui %sign3A_102 : i1 to i32
    %sign3A_104 = arith.constant 0 : i32
    %sign3A_105 = arith.cmpi slt, %jit3A_89, %sign3A_104 : i32
    %sign3A_106 = arith.extui %sign3A_105 : i1 to i32
    %sign3A_107 = arith.subi %sign3A_103, %sign3A_106 : i32
    %ne3A_108 = vector.broadcast %sign3A_107 : i32 to vector<20x1280xi32>
    %ne3A_109 = arith.cmpi ne, %sign3A_100, %ne3A_108 : vector<20x1280xi32>
    %rem3A_110 = vector.broadcast %jit3A_89 : i32 to vector<20x1280xi32>
    %rem3A_111 = arith.remsi %iota3A_87, %rem3A_110 : vector<20x1280xi32>
    %ne3A_112 = arith.constant 0 : i32
    %ne3A_113 = vector.broadcast %ne3A_112 : i32 to vector<20x1280xi32>
    %ne3A_114 = arith.cmpi ne, %rem3A_111, %ne3A_113 : vector<20x1280xi32>
    %and3A_115 = arith.andi %ne3A_109, %ne3A_114 : vector<20x1280xi1>
    %sub3A_116 = arith.constant 1 : i32
    %sub3A_117 = vector.broadcast %sub3A_116 : i32 to vector<20x1280xi32>
    %sub3A_118 = arith.subi %div3A_91, %sub3A_117 : vector<20x1280xi32>
    %select_n3A_119 = arith.select %and3A_115, %sub3A_118, %div3A_91 : vector<20x1280xi1>, vector<20x1280xi32>
    %eq3A_120 = arith.cmpi eq, %select_n3A_119, %iota3A_88 : vector<20x1280xi32>
    %convert_element_type3A_121 = arith.extui %eq3A_120 : vector<20x1280xi1> to vector<20x1280xi32>
    %convert_element_type3A_122 = arith.sitofp %convert_element_type3A_121 : vector<20x1280xi32> to vector<20x1280xf32>
    %mul3A_123 = arith.mulf %add3A_52, %add3A_52 : vector<256x1280xf32>
    %dot_general3A_124 = arith.constant dense<0.000000e+00> : vector<256x20xf32>
    %dot_general3A_125 = tpu.matmul %mul3A_123, %convert_element_type3A_86, %dot_general3A_124 {dimension_numbers = #tpu.dot_dimension_numbers<[1], [0], [0], [1], [0, 0, 1, 1], [], []>, transpose_lhs_hint = false} : vector<256x1280xf32>, vector<1280x20xf32>, vector<256x20xf32> -> vector<256x20xf32>
    %div3A_126 = arith.constant 6.400000e+01 : f32
    %div3A_127 = vector.broadcast %div3A_126 : f32 to vector<256x20xf32>
    %div3A_128 = arith.divf %dot_general3A_125, %div3A_127 : vector<256x20xf32>
    %add3A_129 = arith.constant 9.99999997E-7 : f32
    %add3A_130 = vector.broadcast %add3A_129 : f32 to vector<256x20xf32>
    %add3A_131 = arith.addf %div3A_128, %add3A_130 : vector<256x20xf32>
    %rsqrt3A_132 = math.rsqrt %add3A_131 : vector<256x20xf32>
    %dot_general3A_133 = arith.constant dense<0.000000e+00> : vector<256x1280xf32>
    %dot_general3A_134 = tpu.matmul %rsqrt3A_132, %convert_element_type3A_122, %dot_general3A_133 {dimension_numbers = #tpu.dot_dimension_numbers<[1], [0], [0], [1], [0, 0, 1, 1], [], []>, transpose_lhs_hint = false} : vector<256x20xf32>, vector<20x1280xf32>, vector<256x1280xf32> -> vector<256x1280xf32>
    %mul3A_135 = arith.mulf %add3A_52, %dot_general3A_134 : vector<256x1280xf32>
    %get3A_136 = arith.constant 0 : index
    %get3A_137 = arith.constant 0 : index
    %get3A_138 = vector.load %arg6[%get3A_136, %get3A_137] : memref<1x1280xf32, #tpu.memory_space<vmem>>, vector<1x1280xf32>
    %mul3A_139 = vector.broadcast %get3A_138 : vector<1x1280xf32> to vector<256x1280xf32>
    %mul3A_140 = arith.mulf %mul3A_135, %mul3A_139 : vector<256x1280xf32>
    %slice3A_141 = vector.extract_strided_slice %mul3A_140 {offsets = [0, 0], sizes = [256, 1024], strides = [1, 1]} : vector<256x1280xf32> to vector<256x1024xf32>
    %mul3A_142 = arith.constant 1.250000e-01 : f32
    %mul3A_143 = vector.broadcast %mul3A_142 : f32 to vector<256x1024xf32>
    %mul3A_144 = arith.mulf %slice3A_141, %mul3A_143 : vector<256x1024xf32>
    %convert_element_type3A_145 = arith.truncf %mul3A_144 : vector<256x1024xf32> to vector<256x1024xbf16>
    %swap3A = arith.constant 0 : index
    %swap3A_146 = arith.constant 0 : index
    %swap3A_147 = vector.load %arg7[%swap3A, %swap3A_146] : memref<256x1024xbf16, #tpu.memory_space<vmem>>, vector<256x1024xbf16>
    tpu.vector_store %arg7[%swap3A, %swap3A_146], %convert_element_type3A_145 {strides = array<i32>} : memref<256x1024xbf16, #tpu.memory_space<vmem>>, vector<256x1024xbf16>,
    %slice3A_148 = vector.extract_strided_slice %mul3A_140 {offsets = [0, 1024], sizes = [256, 256], strides = [1, 1]} : vector<256x1280xf32> to vector<256x256xf32>
    %convert_element_type3A_149 = arith.truncf %slice3A_148 : vector<256x256xf32> to vector<256x256xbf16>
    %swap3A_150 = arith.constant 0 : index
    %swap3A_151 = arith.constant 0 : index
    %swap3A_152 = vector.load %arg8[%swap3A_150, %swap3A_151] : memref<256x256xbf16, #tpu.memory_space<vmem>>, vector<256x256xbf16>
    tpu.vector_store %arg8[%swap3A_150, %swap3A_151], %convert_element_type3A_149 {strides = array<i32>} : memref<256x256xbf16, #tpu.memory_space<vmem>>, vector<256x256xbf16>,
    %convert_element_type3A_153 = arith.truncf %slice3A_18 : vector<256x256xf32> to vector<256x256xbf16>
    %swap3A_154 = arith.constant 0 : index
    %swap3A_155 = arith.constant 0 : index
    %swap3A_156 = vector.load %arg9[%swap3A_154, %swap3A_155] : memref<256x256xbf16, #tpu.memory_space<vmem>>, vector<256x256xbf16>
    tpu.vector_store %arg9[%swap3A_154, %swap3A_155], %convert_element_type3A_153 {strides = array<i32>} : memref<256x256xbf16, #tpu.memory_space<vmem>>, vector<256x256xbf16>,
    return
  }
  func.func @transform_0(%arg0: i32) -> (i32, i32) {
    %c0_i32 = arith.constant 0 : i32
    %c0_i32_0 = arith.constant 0 : i32
    return %arg0, %c0_i32 : i32, i32
  }
  func.func @transform_1(%arg0: i32) -> (i32, i32) {
    %c0_i32 = arith.constant 0 : i32
    %c0_i32_0 = arith.constant 0 : i32
    %c0_i32_1 = arith.constant 0 : i32
    return %c0_i32, %c0_i32_0 : i32, i32
  }
  func.func @transform_2(%arg0: i32) -> (i32, i32) {
    %c0_i32 = arith.constant 0 : i32
    %c0_i32_0 = arith.constant 0 : i32
    return %arg0, %c0_i32 : i32, i32
  }
  func.func @transform_3(%arg0: i32) -> (i32, i32) {
    %c0_i32 = arith.constant 0 : i32
    %c0_i32_0 = arith.constant 0 : i32
    return %arg0, %c0_i32 : i32, i32
  }
  func.func @transform_4(%arg0: i32) -> (i32, i32) {
    %c0_i32 = arith.constant 0 : i32
    %c0_i32_0 = arith.constant 0 : i32
    %c0_i32_1 = arith.constant 0 : i32
    return %c0_i32, %c0_i32_0 : i32, i32
  }
  func.func @transform_5(%arg0: i32) -> (i32, i32) {
    %c0_i32 = arith.constant 0 : i32
    %c0_i32_0 = arith.constant 0 : i32
    %c0_i32_1 = arith.constant 0 : i32
    return %c0_i32, %c0_i32_0 : i32, i32
  }
  func.func @transform_6(%arg0: i32) -> (i32, i32) {
    %c0_i32 = arith.constant 0 : i32
    %c0_i32_0 = arith.constant 0 : i32
    return %arg0, %c0_i32 : i32, i32
  }
  func.func @transform_7(%arg0: i32) -> (i32, i32) {
    %c0_i32 = arith.constant 0 : i32
    %c0_i32_0 = arith.constant 0 : i32
    return %arg0, %c0_i32 : i32, i32
  }
  func.func @transform_8(%arg0: i32) -> (i32, i32) {
    %c0_i32 = arith.constant 0 : i32
    %c0_i32_0 = arith.constant 0 : i32
    return %arg0, %c0_i32 : i32, i32
  }
}

module attributes {stable_mosaic.version = 14 : i64} {
  func.func @_attn_post_kernel(%arg0: i32, %arg1: i32, %arg2: memref<1x4x512x64xbf16, #tpu.memory_space<vmem>>, %arg3: memref<1x2048x64xbf16, #tpu.memory_space<vmem>>, %arg4: memref<1x2048x65xbf16, #tpu.memory_space<vmem>>, %arg5: memref<1024x1024xbf16, #tpu.memory_space<vmem>>, %arg6: memref<512x1024xf32, #tpu.memory_space<vmem>>, %arg7: memref<1x1024xf32, #tpu.memory_space<vmem>>, %arg8: memref<1024x8xf32, #tpu.memory_space<vmem>>, %arg9: memref<512x1024xf32, #tpu.memory_space<vmem>>, %arg10: memref<512x1024xf32, #tpu.memory_space<vmem>>, %arg11: memref<512x1xi32, #tpu.memory_space<vmem>>, %arg12: memref<512x1xf32, #tpu.memory_space<vmem>>) attributes {dimension_semantics = [#tpu.dimension_semantics<arbitrary>, #tpu.dimension_semantics<arbitrary>], iteration_bounds = array<i64: 4, 4>, scalar_prefetch = 0 : i64, scratch_operands = 0 : i64, tpu.core_type = #tpu.core_type<tc>, window_params = [{transform_indices = @transform_0, window_bounds = array<i64: 1, 4, 512, 64>}, {transform_indices = @transform_1, window_bounds = array<i64: 1, 2048, 64>}, {transform_indices = @transform_2, window_bounds = array<i64: 1, 2048, 65>}, {pipeline_mode = #tpu.pipeline_mode<synchronous>, transform_indices = @transform_3, window_bounds = array<i64: 1024, 1024>}, {transform_indices = @transform_4, window_bounds = array<i64: 512, 1024>}, {pipeline_mode = #tpu.pipeline_mode<synchronous>, transform_indices = @transform_5, window_bounds = array<i64: 1, 1024>}, {pipeline_mode = #tpu.pipeline_mode<synchronous>, transform_indices = @transform_6, window_bounds = array<i64: 1024, 8>}, {transform_indices = @transform_7, window_bounds = array<i64: 512, 1024>}, {transform_indices = @transform_8, window_bounds = array<i64: 512, 1024>}, {transform_indices = @transform_9, window_bounds = array<i64: 512, 1>}, {transform_indices = @transform_10, window_bounds = array<i64: 512, 1>}]} {
    %get3A = arith.constant 0 : index
    %get3A_0 = arith.constant 0 : index
    %get3A_1 = arith.constant 0 : index
    %get3A_2 = arith.constant 0 : index
    %get3A_3 = vector.load %arg2[%get3A, %get3A_0, %get3A_1, %get3A_2] : memref<1x4x512x64xbf16, #tpu.memory_space<vmem>>, vector<1x4x512x64xbf16>
    %get3A_4 = vector.shape_cast %get3A_3 : vector<1x4x512x64xbf16> to vector<4x512x64xbf16>
    %reshape3A = vector.shape_cast %get3A_4 : vector<4x512x64xbf16> to vector<2048x64xbf16>
    %broadcast_in_dim3A = arith.constant 0.000000e+00 : f32
    %broadcast_in_dim3A_5 = vector.broadcast %broadcast_in_dim3A : f32 to vector<2048x65xf32>
    %while3A = arith.constant 0 : i32
    %while3A_6 = arith.subi %arg0, %while3A : i32
    %while3A_7 = arith.addi %while3A, %while3A_6 : i32
    %while3A_8 = arith.constant 1 : i32
    %while3A_9 = arith.divsi %while3A_6, %while3A_8 : i32
    %while3A_10 = arith.muli %while3A_9, %while3A_8 : i32
    %while3A_11 = arith.addi %while3A, %while3A_10 : i32
    %while3A_12 = arith.constant 1 : i32
    %while3A_13 = scf.for %while3A_121 = %while3A to %while3A_11 step %while3A_12 iter_args(%while3A_122 = %broadcast_in_dim3A_5) -> (vector<2048x65xf32>)  : i32 {
      %mul3A_123 = arith.constant 512 : i32
      %mul3A_124 = arith.muli %while3A_121, %mul3A_123 : i32
      %get3A_125 = arith.constant 0 : index
      %get3A_126 = arith.index_cast %mul3A_124 : i32 to index
      %get3A_127 = arith.constant 0 : index
      %get3A_128 = vector.load %arg3[%get3A_125, %get3A_126, %get3A_127] : memref<1x2048x64xbf16, #tpu.memory_space<vmem>>, vector<1x512x64xbf16>
      %get3A_129 = vector.shape_cast %get3A_128 : vector<1x512x64xbf16> to vector<512x64xbf16>
      %dot_general3A_130 = arith.constant dense<0.000000e+00> : vector<2048x512xf32>
      %dot_general3A_131 = tpu.matmul %reshape3A, %get3A_129, %dot_general3A_130 {dimension_numbers = #tpu.dot_dimension_numbers<[1], [1], [0], [0], [0, 0, 1, 0], [], []>, transpose_lhs_hint = false} : vector<2048x64xbf16>, vector<512x64xbf16>, vector<2048x512xf32> -> vector<2048x512xf32>
      %exp3A_132 = math.exp %dot_general3A_131 : vector<2048x512xf32>
      %convert_element_type3A_133 = arith.truncf %exp3A_132 : vector<2048x512xf32> to vector<2048x512xbf16>
      %mul3A_134 = arith.constant 512 : i32
      %mul3A_135 = arith.muli %while3A_121, %mul3A_134 : i32
      %get3A_136 = arith.constant 0 : index
      %get3A_137 = arith.index_cast %mul3A_135 : i32 to index
      %get3A_138 = arith.constant 0 : index
      %get3A_139 = vector.load %arg4[%get3A_136, %get3A_137, %get3A_138] : memref<1x2048x65xbf16, #tpu.memory_space<vmem>>, vector<1x512x65xbf16>
      %get3A_140 = vector.shape_cast %get3A_139 : vector<1x512x65xbf16> to vector<512x65xbf16>
      %dot_general3A_141 = arith.constant dense<0.000000e+00> : vector<2048x65xf32>
      %dot_general3A_142 = tpu.matmul %convert_element_type3A_133, %get3A_140, %dot_general3A_141 {dimension_numbers = #tpu.dot_dimension_numbers<[1], [0], [0], [1], [0, 0, 1, 1], [], []>, transpose_lhs_hint = false} : vector<2048x512xbf16>, vector<512x65xbf16>, vector<2048x65xf32> -> vector<2048x65xf32>
      %add3A_143 = arith.addf %while3A_122, %dot_general3A_142 : vector<2048x65xf32>
      scf.yield %add3A_143 : vector<2048x65xf32>
    }
    %while3A_14 = arith.constant 1 : i32
    %while3A_15 = scf.for %while3A_121 = %while3A_11 to %while3A_7 step %while3A_14 iter_args(%while3A_122 = %while3A_13) -> (vector<2048x65xf32>)  : i32 {
      %mul3A_123 = arith.constant 512 : i32
      %mul3A_124 = arith.muli %while3A_121, %mul3A_123 : i32
      %get3A_125 = arith.constant 0 : index
      %get3A_126 = arith.index_cast %mul3A_124 : i32 to index
      %get3A_127 = arith.constant 0 : index
      %get3A_128 = vector.load %arg3[%get3A_125, %get3A_126, %get3A_127] : memref<1x2048x64xbf16, #tpu.memory_space<vmem>>, vector<1x512x64xbf16>
      %get3A_129 = vector.shape_cast %get3A_128 : vector<1x512x64xbf16> to vector<512x64xbf16>
      %dot_general3A_130 = arith.constant dense<0.000000e+00> : vector<2048x512xf32>
      %dot_general3A_131 = tpu.matmul %reshape3A, %get3A_129, %dot_general3A_130 {dimension_numbers = #tpu.dot_dimension_numbers<[1], [1], [0], [0], [0, 0, 1, 0], [], []>, transpose_lhs_hint = false} : vector<2048x64xbf16>, vector<512x64xbf16>, vector<2048x512xf32> -> vector<2048x512xf32>
      %exp3A_132 = math.exp %dot_general3A_131 : vector<2048x512xf32>
      %convert_element_type3A_133 = arith.truncf %exp3A_132 : vector<2048x512xf32> to vector<2048x512xbf16>
      %mul3A_134 = arith.constant 512 : i32
      %mul3A_135 = arith.muli %while3A_121, %mul3A_134 : i32
      %get3A_136 = arith.constant 0 : index
      %get3A_137 = arith.index_cast %mul3A_135 : i32 to index
      %get3A_138 = arith.constant 0 : index
      %get3A_139 = vector.load %arg4[%get3A_136, %get3A_137, %get3A_138] : memref<1x2048x65xbf16, #tpu.memory_space<vmem>>, vector<1x512x65xbf16>
      %get3A_140 = vector.shape_cast %get3A_139 : vector<1x512x65xbf16> to vector<512x65xbf16>
      %dot_general3A_141 = arith.constant dense<0.000000e+00> : vector<2048x65xf32>
      %dot_general3A_142 = tpu.matmul %convert_element_type3A_133, %get3A_140, %dot_general3A_141 {dimension_numbers = #tpu.dot_dimension_numbers<[1], [0], [0], [1], [0, 0, 1, 1], [], []>, transpose_lhs_hint = false} : vector<2048x512xbf16>, vector<512x65xbf16>, vector<2048x65xf32> -> vector<2048x65xf32>
      %add3A_143 = arith.addf %while3A_122, %dot_general3A_142 : vector<2048x65xf32>
      scf.yield %add3A_143 : vector<2048x65xf32>
    }
    %mul3A = arith.constant 512 : i32
    %mul3A_16 = arith.muli %arg0, %mul3A : i32
    %get3A_17 = arith.constant 0 : index
    %get3A_18 = arith.index_cast %mul3A_16 : i32 to index
    %get3A_19 = arith.constant 0 : index
    %get3A_20 = vector.load %arg3[%get3A_17, %get3A_18, %get3A_19] : memref<1x2048x64xbf16, #tpu.memory_space<vmem>>, vector<1x512x64xbf16>
    %get3A_21 = vector.shape_cast %get3A_20 : vector<1x512x64xbf16> to vector<512x64xbf16>
    %dot_general3A = arith.constant dense<0.000000e+00> : vector<2048x512xf32>
    %dot_general3A_22 = tpu.matmul %reshape3A, %get3A_21, %dot_general3A {dimension_numbers = #tpu.dot_dimension_numbers<[1], [1], [0], [0], [0, 0, 1, 0], [], []>, transpose_lhs_hint = false} : vector<2048x64xbf16>, vector<512x64xbf16>, vector<2048x512xf32> -> vector<2048x512xf32>
    %iota3A = tpu.iota {dimensions = array<i32: 0>} : vector<2048x512xi32>
    %iota3A_23 = tpu.iota {dimensions = array<i32: 1>} : vector<2048x512xi32>
    %jit3A = arith.constant 512 : i32
    %eq3A = arith.constant 0 : i32
    %eq3A_24 = arith.cmpi eq, %jit3A, %eq3A : i32
    %jit3A_25 = arith.constant 1 : i32
    %select_n3A = arith.select %eq3A_24, %jit3A_25, %jit3A : i32
    %rem3A = vector.broadcast %select_n3A : i32 to vector<2048x512xi32>
    %rem3A_26 = arith.remsi %iota3A, %rem3A : vector<2048x512xi32>
    %ne3A = arith.constant 0 : i32
    %ne3A_27 = vector.broadcast %ne3A : i32 to vector<2048x512xi32>
    %ne3A_28 = arith.cmpi ne, %rem3A_26, %ne3A_27 : vector<2048x512xi32>
    %lt3A = arith.constant 0 : i32
    %lt3A_29 = vector.broadcast %lt3A : i32 to vector<2048x512xi32>
    %lt3A_30 = arith.cmpi slt, %rem3A_26, %lt3A_29 : vector<2048x512xi32>
    %lt3A_31 = arith.constant 0 : i32
    %lt3A_32 = arith.cmpi slt, %select_n3A, %lt3A_31 : i32
    %ne3A_33 = vector.broadcast %lt3A_32 : i1 to vector<2048x512xi1>
    %ne3A_34 = vector.broadcast %ne3A_33 : vector<2048x512xi1> to vector<2048x512xi1>
    %ne3A_35 = arith.xori %lt3A_30, %ne3A_34 : vector<2048x512xi1>
    %and3A = arith.andi %ne3A_35, %ne3A_28 : vector<2048x512xi1>
    %add3A = vector.broadcast %select_n3A : i32 to vector<2048x512xi32>
    %add3A_36 = arith.addi %rem3A_26, %add3A : vector<2048x512xi32>
    %select_n3A_37 = arith.select %and3A, %add3A_36, %rem3A_26 : vector<2048x512xi1>, vector<2048x512xi32>
    %le3A = arith.cmpi sle, %iota3A_23, %select_n3A_37 : vector<2048x512xi32>
    %jit3A_38 = arith.constant -1.000000e+30 : f32
    %broadcast_in_dim3A_39 = vector.broadcast %jit3A_38 : f32 to vector<2048x512xf32>
    %select_n3A_40 = arith.select %le3A, %dot_general3A_22, %broadcast_in_dim3A_39 : vector<2048x512xi1>, vector<2048x512xf32>
    %exp3A = math.exp %select_n3A_40 : vector<2048x512xf32>
    %convert_element_type3A = arith.truncf %exp3A : vector<2048x512xf32> to vector<2048x512xbf16>
    %mul3A_41 = arith.constant 512 : i32
    %mul3A_42 = arith.muli %arg0, %mul3A_41 : i32
    %get3A_43 = arith.constant 0 : index
    %get3A_44 = arith.index_cast %mul3A_42 : i32 to index
    %get3A_45 = arith.constant 0 : index
    %get3A_46 = vector.load %arg4[%get3A_43, %get3A_44, %get3A_45] : memref<1x2048x65xbf16, #tpu.memory_space<vmem>>, vector<1x512x65xbf16>
    %get3A_47 = vector.shape_cast %get3A_46 : vector<1x512x65xbf16> to vector<512x65xbf16>
    %dot_general3A_48 = arith.constant dense<0.000000e+00> : vector<2048x65xf32>
    %dot_general3A_49 = tpu.matmul %convert_element_type3A, %get3A_47, %dot_general3A_48 {dimension_numbers = #tpu.dot_dimension_numbers<[1], [0], [0], [1], [0, 0, 1, 1], [], []>, transpose_lhs_hint = false} : vector<2048x512xbf16>, vector<512x65xbf16>, vector<2048x65xf32> -> vector<2048x65xf32>
    %add3A_50 = arith.addf %while3A_15, %dot_general3A_49 : vector<2048x65xf32>
    %slice3A = vector.extract_strided_slice %add3A_50 {offsets = [0, 0], sizes = [2048, 64], strides = [1, 1]} : vector<2048x65xf32> to vector<2048x64xf32>
    %slice3A_51 = vector.extract_strided_slice %add3A_50 {offsets = [0, 64], sizes = [2048, 1], strides = [1, 1]} : vector<2048x65xf32> to vector<2048x1xf32>
    %div3A = vector.broadcast %slice3A_51 : vector<2048x1xf32> to vector<2048x64xf32>
    %div3A_52 = arith.divf %slice3A, %div3A : vector<2048x64xf32>
    %convert_element_type3A_53 = arith.truncf %div3A_52 : vector<2048x64xf32> to vector<2048x64xbf16>
    %broadcast_in_dim3A_54 = arith.constant 0.000000e+00 : f32
    %broadcast_in_dim3A_55 = vector.broadcast %broadcast_in_dim3A_54 : f32 to vector<512x1024xf32>
    %slice3A_56 = vector.extract_strided_slice %convert_element_type3A_53 {offsets = [0, 0], sizes = [512, 64], strides = [1, 1]} : vector<2048x64xbf16> to vector<512x64xbf16>
    %mul3A_57 = arith.constant 4 : i32
    %mul3A_58 = arith.muli %arg1, %mul3A_57 : i32
    %add3A_59 = arith.constant 0 : i32
    %add3A_60 = arith.addi %mul3A_58, %add3A_59 : i32
    %mul3A_61 = arith.constant 64 : i32
    %mul3A_62 = arith.muli %add3A_60, %mul3A_61 : i32
    %get3A_63 = arith.index_cast %mul3A_62 : i32 to index
    %get3A_64 = arith.constant 0 : index
    %get3A_65 = vector.load %arg5[%get3A_63, %get3A_64] : memref<1024x1024xbf16, #tpu.memory_space<vmem>>, vector<64x1024xbf16>
    %dot_general3A_66 = arith.constant dense<0.000000e+00> : vector<512x1024xf32>
    %dot_general3A_67 = tpu.matmul %slice3A_56, %get3A_65, %dot_general3A_66 {dimension_numbers = #tpu.dot_dimension_numbers<[1], [0], [0], [1], [0, 0, 1, 1], [], []>, transpose_lhs_hint = false} : vector<512x64xbf16>, vector<64x1024xbf16>, vector<512x1024xf32> -> vector<512x1024xf32>
    %add3A_68 = arith.addf %broadcast_in_dim3A_55, %dot_general3A_67 : vector<512x1024xf32>
    %slice3A_69 = vector.extract_strided_slice %convert_element_type3A_53 {offsets = [512, 0], sizes = [512, 64], strides = [1, 1]} : vector<2048x64xbf16> to vector<512x64xbf16>
    %mul3A_70 = arith.constant 4 : i32
    %mul3A_71 = arith.muli %arg1, %mul3A_70 : i32
    %add3A_72 = arith.constant 1 : i32
    %add3A_73 = arith.addi %mul3A_71, %add3A_72 : i32
    %mul3A_74 = arith.constant 64 : i32
    %mul3A_75 = arith.muli %add3A_73, %mul3A_74 : i32
    %get3A_76 = arith.index_cast %mul3A_75 : i32 to index
    %get3A_77 = arith.constant 0 : index
    %get3A_78 = vector.load %arg5[%get3A_76, %get3A_77] : memref<1024x1024xbf16, #tpu.memory_space<vmem>>, vector<64x1024xbf16>
    %dot_general3A_79 = arith.constant dense<0.000000e+00> : vector<512x1024xf32>
    %dot_general3A_80 = tpu.matmul %slice3A_69, %get3A_78, %dot_general3A_79 {dimension_numbers = #tpu.dot_dimension_numbers<[1], [0], [0], [1], [0, 0, 1, 1], [], []>, transpose_lhs_hint = false} : vector<512x64xbf16>, vector<64x1024xbf16>, vector<512x1024xf32> -> vector<512x1024xf32>
    %add3A_81 = arith.addf %add3A_68, %dot_general3A_80 : vector<512x1024xf32>
    %slice3A_82 = vector.extract_strided_slice %convert_element_type3A_53 {offsets = [1024, 0], sizes = [512, 64], strides = [1, 1]} : vector<2048x64xbf16> to vector<512x64xbf16>
    %mul3A_83 = arith.constant 4 : i32
    %mul3A_84 = arith.muli %arg1, %mul3A_83 : i32
    %add3A_85 = arith.constant 2 : i32
    %add3A_86 = arith.addi %mul3A_84, %add3A_85 : i32
    %mul3A_87 = arith.constant 64 : i32
    %mul3A_88 = arith.muli %add3A_86, %mul3A_87 : i32
    %get3A_89 = arith.index_cast %mul3A_88 : i32 to index
    %get3A_90 = arith.constant 0 : index
    %get3A_91 = vector.load %arg5[%get3A_89, %get3A_90] : memref<1024x1024xbf16, #tpu.memory_space<vmem>>, vector<64x1024xbf16>
    %dot_general3A_92 = arith.constant dense<0.000000e+00> : vector<512x1024xf32>
    %dot_general3A_93 = tpu.matmul %slice3A_82, %get3A_91, %dot_general3A_92 {dimension_numbers = #tpu.dot_dimension_numbers<[1], [0], [0], [1], [0, 0, 1, 1], [], []>, transpose_lhs_hint = false} : vector<512x64xbf16>, vector<64x1024xbf16>, vector<512x1024xf32> -> vector<512x1024xf32>
    %add3A_94 = arith.addf %add3A_81, %dot_general3A_93 : vector<512x1024xf32>
    %slice3A_95 = vector.extract_strided_slice %convert_element_type3A_53 {offsets = [1536, 0], sizes = [512, 64], strides = [1, 1]} : vector<2048x64xbf16> to vector<512x64xbf16>
    %mul3A_96 = arith.constant 4 : i32
    %mul3A_97 = arith.muli %arg1, %mul3A_96 : i32
    %add3A_98 = arith.constant 3 : i32
    %add3A_99 = arith.addi %mul3A_97, %add3A_98 : i32
    %mul3A_100 = arith.constant 64 : i32
    %mul3A_101 = arith.muli %add3A_99, %mul3A_100 : i32
    %get3A_102 = arith.index_cast %mul3A_101 : i32 to index
    %get3A_103 = arith.constant 0 : index
    %get3A_104 = vector.load %arg5[%get3A_102, %get3A_103] : memref<1024x1024xbf16, #tpu.memory_space<vmem>>, vector<64x1024xbf16>
    %dot_general3A_105 = arith.constant dense<0.000000e+00> : vector<512x1024xf32>
    %dot_general3A_106 = tpu.matmul %slice3A_95, %get3A_104, %dot_general3A_105 {dimension_numbers = #tpu.dot_dimension_numbers<[1], [0], [0], [1], [0, 0, 1, 1], [], []>, transpose_lhs_hint = false} : vector<512x64xbf16>, vector<64x1024xbf16>, vector<512x1024xf32> -> vector<512x1024xf32>
    %add3A_107 = arith.addf %add3A_94, %dot_general3A_106 : vector<512x1024xf32>
    %eq3A_108 = arith.constant 0 : i32
    %eq3A_109 = arith.cmpi eq, %arg1, %eq3A_108 : i32
    %convert_element_type3A_110 = arith.extui %eq3A_109 : i1 to i32
    %cond3A = arith.constant 0 : i32
    %cond3A_111 = arith.cmpi ne, %convert_element_type3A_110, %cond3A : i32
    scf.if %cond3A_111 {
      %get3A_121 = arith.constant 0 : index
      %get3A_122 = arith.constant 0 : index
      %get3A_123 = vector.load %arg6[%get3A_121, %get3A_122] : memref<512x1024xf32, #tpu.memory_space<vmem>>, vector<512x1024xf32>
      %add3A_124 = arith.addf %get3A_123, %add3A_107 : vector<512x1024xf32>
      %swap3A = arith.constant 0 : index
      %swap3A_125 = arith.constant 0 : index
      %swap3A_126 = vector.load %arg9[%swap3A, %swap3A_125] : memref<512x1024xf32, #tpu.memory_space<vmem>>, vector<512x1024xf32>
      tpu.vector_store %arg9[%swap3A, %swap3A_125], %add3A_124 {strides = array<i32>} : memref<512x1024xf32, #tpu.memory_space<vmem>>, vector<512x1024xf32>,
    } else {
    }
    %gt3A = arith.constant 0 : i32
    %gt3A_112 = arith.cmpi sgt, %arg1, %gt3A : i32
    %convert_element_type3A_113 = arith.extui %gt3A_112 : i1 to i32
    %cond3A_114 = arith.constant 0 : i32
    %cond3A_115 = arith.cmpi ne, %convert_element_type3A_113, %cond3A_114 : i32
    scf.if %cond3A_115 {
      %get3A_121 = arith.constant 0 : index
      %get3A_122 = arith.constant 0 : index
      %get3A_123 = vector.load %arg9[%get3A_121, %get3A_122] : memref<512x1024xf32, #tpu.memory_space<vmem>>, vector<512x1024xf32>
      %add3A_124 = arith.addf %get3A_123, %add3A_107 : vector<512x1024xf32>
      %swap3A = arith.constant 0 : index
      %swap3A_125 = arith.constant 0 : index
      %swap3A_126 = vector.load %arg9[%swap3A, %swap3A_125] : memref<512x1024xf32, #tpu.memory_space<vmem>>, vector<512x1024xf32>
      tpu.vector_store %arg9[%swap3A, %swap3A_125], %add3A_124 {strides = array<i32>} : memref<512x1024xf32, #tpu.memory_space<vmem>>, vector<512x1024xf32>,
    } else {
    }
    %eq3A_116 = arith.constant 3 : i32
    %eq3A_117 = arith.cmpi eq, %arg1, %eq3A_116 : i32
    %convert_element_type3A_118 = arith.extui %eq3A_117 : i1 to i32
    %cond3A_119 = arith.constant 0 : i32
    %cond3A_120 = arith.cmpi ne, %convert_element_type3A_118, %cond3A_119 : i32
    scf.if %cond3A_120 {
      %get3A_121 = arith.constant 0 : index
      %get3A_122 = arith.constant 0 : index
      %get3A_123 = vector.load %arg9[%get3A_121, %get3A_122] : memref<512x1024xf32, #tpu.memory_space<vmem>>, vector<512x1024xf32>
      %mul3A_124 = arith.mulf %get3A_123, %get3A_123 : vector<512x1024xf32>
      %reduce_sum3A = arith.constant dense<0.000000e+00> : vector<512xf32>
      %reduce_sum3A_125 = vector.multi_reduction <add>, %mul3A_124, %reduce_sum3A [1] : vector<512x1024xf32> to vector<512xf32>
      %broadcast_in_dim3A_126 = vector.shape_cast %reduce_sum3A_125 : vector<512xf32> to vector<512x1xf32>
      %div3A_127 = arith.constant 1.024000e+03 : f32
      %div3A_128 = vector.broadcast %div3A_127 : f32 to vector<512x1xf32>
      %div3A_129 = arith.divf %broadcast_in_dim3A_126, %div3A_128 : vector<512x1xf32>
      %add3A_130 = arith.constant 9.99999974E-6 : f32
      %add3A_131 = vector.broadcast %add3A_130 : f32 to vector<512x1xf32>
      %add3A_132 = arith.addf %div3A_129, %add3A_131 : vector<512x1xf32>
      %rsqrt3A = math.rsqrt %add3A_132 : vector<512x1xf32>
      %mul3A_133 = vector.broadcast %rsqrt3A : vector<512x1xf32> to vector<512x1024xf32>
      %mul3A_134 = arith.mulf %get3A_123, %mul3A_133 : vector<512x1024xf32>
      %get3A_135 = arith.constant 0 : index
      %get3A_136 = arith.constant 0 : index
      %get3A_137 = vector.load %arg7[%get3A_135, %get3A_136] : memref<1x1024xf32, #tpu.memory_space<vmem>>, vector<1x1024xf32>
      %mul3A_138 = vector.broadcast %get3A_137 : vector<1x1024xf32> to vector<512x1024xf32>
      %mul3A_139 = arith.mulf %mul3A_134, %mul3A_138 : vector<512x1024xf32>
      %swap3A = arith.constant 0 : index
      %swap3A_140 = arith.constant 0 : index
      %swap3A_141 = vector.load %arg10[%swap3A, %swap3A_140] : memref<512x1024xf32, #tpu.memory_space<vmem>>, vector<512x1024xf32>
      tpu.vector_store %arg10[%swap3A, %swap3A_140], %mul3A_139 {strides = array<i32>} : memref<512x1024xf32, #tpu.memory_space<vmem>>, vector<512x1024xf32>,
      %get3A_142 = arith.constant 0 : index
      %get3A_143 = arith.constant 0 : index
      %get3A_144 = vector.load %arg8[%get3A_142, %get3A_143] : memref<1024x8xf32, #tpu.memory_space<vmem>>, vector<1024x8xf32>
      %dot_general3A_145 = arith.constant dense<0.000000e+00> : vector<512x8xf32>
      %dot_general3A_146 = tpu.matmul %mul3A_139, %get3A_144, %dot_general3A_145 {dimension_numbers = #tpu.dot_dimension_numbers<[1], [0], [0], [1], [0, 0, 1, 1], [], []>, transpose_lhs_hint = false} : vector<512x1024xf32>, vector<1024x8xf32>, vector<512x8xf32> -> vector<512x8xf32>
      %reduce_max3A = arith.constant dense<0xFF800000> : vector<512xf32>
      %reduce_max3A_147 = vector.multi_reduction <maximumf>, %dot_general3A_146, %reduce_max3A [1] : vector<512x8xf32> to vector<512xf32>
      %broadcast_in_dim3A_148 = vector.shape_cast %reduce_max3A_147 : vector<512xf32> to vector<512x1xf32>
      %iota3A_149 = tpu.iota {dimensions = array<i32: 1>} : vector<512x8xi32>
      %eq3A_150 = vector.broadcast %broadcast_in_dim3A_148 : vector<512x1xf32> to vector<512x8xf32>
      %eq3A_151 = arith.cmpf oeq, %dot_general3A_146, %eq3A_150 : vector<512x8xf32>
      %jit3A_152 = arith.constant 8 : i32
      %broadcast_in_dim3A_153 = vector.broadcast %jit3A_152 : i32 to vector<512x8xi32>
      %select_n3A_154 = arith.select %eq3A_151, %iota3A_149, %broadcast_in_dim3A_153 : vector<512x8xi1>, vector<512x8xi32>
      %reduce_min3A = arith.constant dense<2147483647> : vector<512xi32>
      %reduce_min3A_155 = vector.multi_reduction <minsi>, %select_n3A_154, %reduce_min3A [1] : vector<512x8xi32> to vector<512xi32>
      %broadcast_in_dim3A_156 = vector.shape_cast %reduce_min3A_155 : vector<512xi32> to vector<512x1xi32>
      %swap3A_157 = arith.constant 0 : index
      %swap3A_158 = arith.constant 0 : index
      %swap3A_159 = vector.load %arg11[%swap3A_157, %swap3A_158] : memref<512x1xi32, #tpu.memory_space<vmem>>, vector<512x1xi32>
      tpu.vector_store %arg11[%swap3A_157, %swap3A_158], %broadcast_in_dim3A_156 {strides = array<i32>} : memref<512x1xi32, #tpu.memory_space<vmem>>, vector<512x1xi32>,
      %logistic3A = arith.negf %broadcast_in_dim3A_148 : vector<512x1xf32>
      %logistic3A_160 = math.exp %logistic3A : vector<512x1xf32>
      %logistic3A_161 = arith.constant 1.000000e+00 : f32
      %logistic3A_162 = vector.broadcast %logistic3A_161 : f32 to vector<512x1xf32>
      %logistic3A_163 = arith.addf %logistic3A_162, %logistic3A_160 : vector<512x1xf32>
      %logistic3A_164 = arith.divf %logistic3A_162, %logistic3A_163 : vector<512x1xf32>
      %swap3A_165 = arith.constant 0 : index
      %swap3A_166 = arith.constant 0 : index
      %swap3A_167 = vector.load %arg12[%swap3A_165, %swap3A_166] : memref<512x1xf32, #tpu.memory_space<vmem>>, vector<512x1xf32>
      tpu.vector_store %arg12[%swap3A_165, %swap3A_166], %logistic3A_164 {strides = array<i32>} : memref<512x1xf32, #tpu.memory_space<vmem>>, vector<512x1xf32>,
    } else {
    }
    return
  }
  func.func @transform_0(%arg0: i32, %arg1: i32) -> (i32, i32, i32, i32) {
    %c0_i32 = arith.constant 0 : i32
    %c0_i32_0 = arith.constant 0 : i32
    %c0_i32_1 = arith.constant 0 : i32
    return %arg1, %c0_i32, %arg0, %c0_i32_0 : i32, i32, i32, i32
  }
  func.func @transform_1(%arg0: i32, %arg1: i32) -> (i32, i32, i32) {
    %c0_i32 = arith.constant 0 : i32
    %c0_i32_0 = arith.constant 0 : i32
    %c0_i32_1 = arith.constant 0 : i32
    return %arg1, %c0_i32, %c0_i32_0 : i32, i32, i32
  }
  func.func @transform_2(%arg0: i32, %arg1: i32) -> (i32, i32, i32) {
    %c0_i32 = arith.constant 0 : i32
    %c0_i32_0 = arith.constant 0 : i32
    %c0_i32_1 = arith.constant 0 : i32
    return %arg1, %c0_i32, %c0_i32_0 : i32, i32, i32
  }
  func.func @transform_3(%arg0: i32, %arg1: i32) -> (i32, i32) {
    %c0_i32 = arith.constant 0 : i32
    %c0_i32_0 = arith.constant 0 : i32
    %c0_i32_1 = arith.constant 0 : i32
    return %c0_i32, %c0_i32_0 : i32, i32
  }
  func.func @transform_4(%arg0: i32, %arg1: i32) -> (i32, i32) {
    %c0_i32 = arith.constant 0 : i32
    %c0_i32_0 = arith.constant 0 : i32
    return %arg0, %c0_i32 : i32, i32
  }
  func.func @transform_5(%arg0: i32, %arg1: i32) -> (i32, i32) {
    %c0_i32 = arith.constant 0 : i32
    %c0_i32_0 = arith.constant 0 : i32
    %c0_i32_1 = arith.constant 0 : i32
    return %c0_i32, %c0_i32_0 : i32, i32
  }
  func.func @transform_6(%arg0: i32, %arg1: i32) -> (i32, i32) {
    %c0_i32 = arith.constant 0 : i32
    %c0_i32_0 = arith.constant 0 : i32
    %c0_i32_1 = arith.constant 0 : i32
    return %c0_i32, %c0_i32_0 : i32, i32
  }
  func.func @transform_7(%arg0: i32, %arg1: i32) -> (i32, i32) {
    %c0_i32 = arith.constant 0 : i32
    %c0_i32_0 = arith.constant 0 : i32
    return %arg0, %c0_i32 : i32, i32
  }
  func.func @transform_8(%arg0: i32, %arg1: i32) -> (i32, i32) {
    %c0_i32 = arith.constant 0 : i32
    %c0_i32_0 = arith.constant 0 : i32
    return %arg0, %c0_i32 : i32, i32
  }
  func.func @transform_9(%arg0: i32, %arg1: i32) -> (i32, i32) {
    %c0_i32 = arith.constant 0 : i32
    %c0_i32_0 = arith.constant 0 : i32
    return %arg0, %c0_i32 : i32, i32
  }
  func.func @transform_10(%arg0: i32, %arg1: i32) -> (i32, i32) {
    %c0_i32 = arith.constant 0 : i32
    %c0_i32_0 = arith.constant 0 : i32
    return %arg0, %c0_i32 : i32, i32
  }
}

module attributes {stable_mosaic.version = 14 : i64} {
  func.func @_moe_kernel(%arg0: i32, %arg1: i32, %arg2: memref<9xi32, #tpu.memory_space<smem>>, %arg3: memref<512x1024xf32, #tpu.memory_space<vmem>>, %arg4: memref<512x1xf32, #tpu.memory_space<vmem>>, %arg5: memref<1x1024x2048xf32, #tpu.memory_space<vmem>>, %arg6: memref<1x1024x1024xf32, #tpu.memory_space<vmem>>, %arg7: memref<1024x2048xbf16, #tpu.memory_space<vmem>>, %arg8: memref<1024x1024xbf16, #tpu.memory_space<vmem>>, %arg9: memref<512x1024xf32, #tpu.memory_space<vmem>>) attributes {dimension_semantics = [#tpu.dimension_semantics<arbitrary>, #tpu.dimension_semantics<arbitrary>], iteration_bounds = array<i64: 4, 9>, scalar_prefetch = 1 : i64, scratch_operands = 0 : i64, tpu.core_type = #tpu.core_type<tc>, window_params = [{transform_indices = @transform_0, window_bounds = array<i64: 512, 1024>}, {transform_indices = @transform_1, window_bounds = array<i64: 512, 1>}, {transform_indices = @transform_2, window_bounds = array<i64: 1, 1024, 2048>}, {transform_indices = @transform_3, window_bounds = array<i64: 1, 1024, 1024>}, {pipeline_mode = #tpu.pipeline_mode<synchronous>, transform_indices = @transform_4, window_bounds = array<i64: 1024, 2048>}, {pipeline_mode = #tpu.pipeline_mode<synchronous>, transform_indices = @transform_5, window_bounds = array<i64: 1024, 1024>}, {transform_indices = @transform_6, window_bounds = array<i64: 512, 1024>}]} {
    %eq3A = arith.constant 0 : i32
    %eq3A_0 = arith.cmpi eq, %arg1, %eq3A : i32
    %convert_element_type3A = arith.extui %eq3A_0 : i1 to i32
    %cond3A = arith.constant 0 : i32
    %cond3A_1 = arith.cmpi ne, %convert_element_type3A, %cond3A : i32
    scf.if %cond3A_1 {
      %get3A_92 = arith.constant 0 : index
      %get3A_93 = arith.constant 0 : index
      %get3A_94 = vector.load %arg3[%get3A_92, %get3A_93] : memref<512x1024xf32, #tpu.memory_space<vmem>>, vector<512x1024xf32>
      %convert_element_type3A_95 = arith.truncf %get3A_94 : vector<512x1024xf32> to vector<512x1024xbf16>
      %broadcast_in_dim3A = arith.constant 0.000000e+00 : f32
      %broadcast_in_dim3A_96 = vector.broadcast %broadcast_in_dim3A : f32 to vector<512x1024xf32>
      %get3A_97 = arith.constant 0 : index
      %get3A_98 = arith.constant 0 : index
      %get3A_99 = vector.load %arg7[%get3A_97, %get3A_98] : memref<1024x2048xbf16, #tpu.memory_space<vmem>>, vector<1024x512xbf16>
      %dot_general3A = arith.constant dense<0.000000e+00> : vector<512x512xf32>
      %dot_general3A_100 = tpu.matmul %convert_element_type3A_95, %get3A_99, %dot_general3A {dimension_numbers = #tpu.dot_dimension_numbers<[1], [0], [0], [1], [0, 0, 1, 1], [], []>, transpose_lhs_hint = false} : vector<512x1024xbf16>, vector<1024x512xbf16>, vector<512x512xf32> -> vector<512x512xf32>
      %get3A_101 = arith.constant 0 : index
      %get3A_102 = arith.constant 1024 : index
      %get3A_103 = vector.load %arg7[%get3A_101, %get3A_102] : memref<1024x2048xbf16, #tpu.memory_space<vmem>>, vector<1024x512xbf16>
      %dot_general3A_104 = arith.constant dense<0.000000e+00> : vector<512x512xf32>
      %dot_general3A_105 = tpu.matmul %convert_element_type3A_95, %get3A_103, %dot_general3A_104 {dimension_numbers = #tpu.dot_dimension_numbers<[1], [0], [0], [1], [0, 0, 1, 1], [], []>, transpose_lhs_hint = false} : vector<512x1024xbf16>, vector<1024x512xbf16>, vector<512x512xf32> -> vector<512x512xf32>
      %logistic3A = arith.negf %dot_general3A_100 : vector<512x512xf32>
      %logistic3A_106 = math.exp %logistic3A : vector<512x512xf32>
      %logistic3A_107 = arith.constant 1.000000e+00 : f32
      %logistic3A_108 = vector.broadcast %logistic3A_107 : f32 to vector<512x512xf32>
      %logistic3A_109 = arith.addf %logistic3A_108, %logistic3A_106 : vector<512x512xf32>
      %logistic3A_110 = arith.divf %logistic3A_108, %logistic3A_109 : vector<512x512xf32>
      %mul3A_111 = arith.mulf %dot_general3A_100, %logistic3A_110 : vector<512x512xf32>
      %mul3A_112 = arith.mulf %mul3A_111, %dot_general3A_105 : vector<512x512xf32>
      %convert_element_type3A_113 = arith.truncf %mul3A_112 : vector<512x512xf32> to vector<512x512xbf16>
      %get3A_114 = arith.constant 0 : index
      %get3A_115 = arith.constant 0 : index
      %get3A_116 = vector.load %arg8[%get3A_114, %get3A_115] : memref<1024x1024xbf16, #tpu.memory_space<vmem>>, vector<512x1024xbf16>
      %dot_general3A_117 = arith.constant dense<0.000000e+00> : vector<512x1024xf32>
      %dot_general3A_118 = tpu.matmul %convert_element_type3A_113, %get3A_116, %dot_general3A_117 {dimension_numbers = #tpu.dot_dimension_numbers<[1], [0], [0], [1], [0, 0, 1, 1], [], []>, transpose_lhs_hint = false} : vector<512x512xbf16>, vector<512x1024xbf16>, vector<512x1024xf32> -> vector<512x1024xf32>
      %add3A_119 = arith.addf %broadcast_in_dim3A_96, %dot_general3A_118 : vector<512x1024xf32>
      %get3A_120 = arith.constant 0 : index
      %get3A_121 = arith.constant 512 : index
      %get3A_122 = vector.load %arg7[%get3A_120, %get3A_121] : memref<1024x2048xbf16, #tpu.memory_space<vmem>>, vector<1024x512xbf16>
      %dot_general3A_123 = arith.constant dense<0.000000e+00> : vector<512x512xf32>
      %dot_general3A_124 = tpu.matmul %convert_element_type3A_95, %get3A_122, %dot_general3A_123 {dimension_numbers = #tpu.dot_dimension_numbers<[1], [0], [0], [1], [0, 0, 1, 1], [], []>, transpose_lhs_hint = false} : vector<512x1024xbf16>, vector<1024x512xbf16>, vector<512x512xf32> -> vector<512x512xf32>
      %get3A_125 = arith.constant 0 : index
      %get3A_126 = arith.constant 1536 : index
      %get3A_127 = vector.load %arg7[%get3A_125, %get3A_126] : memref<1024x2048xbf16, #tpu.memory_space<vmem>>, vector<1024x512xbf16>
      %dot_general3A_128 = arith.constant dense<0.000000e+00> : vector<512x512xf32>
      %dot_general3A_129 = tpu.matmul %convert_element_type3A_95, %get3A_127, %dot_general3A_128 {dimension_numbers = #tpu.dot_dimension_numbers<[1], [0], [0], [1], [0, 0, 1, 1], [], []>, transpose_lhs_hint = false} : vector<512x1024xbf16>, vector<1024x512xbf16>, vector<512x512xf32> -> vector<512x512xf32>
      %logistic3A_130 = arith.negf %dot_general3A_124 : vector<512x512xf32>
      %logistic3A_131 = math.exp %logistic3A_130 : vector<512x512xf32>
      %logistic3A_132 = arith.constant 1.000000e+00 : f32
      %logistic3A_133 = vector.broadcast %logistic3A_132 : f32 to vector<512x512xf32>
      %logistic3A_134 = arith.addf %logistic3A_133, %logistic3A_131 : vector<512x512xf32>
      %logistic3A_135 = arith.divf %logistic3A_133, %logistic3A_134 : vector<512x512xf32>
      %mul3A_136 = arith.mulf %dot_general3A_124, %logistic3A_135 : vector<512x512xf32>
      %mul3A_137 = arith.mulf %mul3A_136, %dot_general3A_129 : vector<512x512xf32>
      %convert_element_type3A_138 = arith.truncf %mul3A_137 : vector<512x512xf32> to vector<512x512xbf16>
      %get3A_139 = arith.constant 512 : index
      %get3A_140 = arith.constant 0 : index
      %get3A_141 = vector.load %arg8[%get3A_139, %get3A_140] : memref<1024x1024xbf16, #tpu.memory_space<vmem>>, vector<512x1024xbf16>
      %dot_general3A_142 = arith.constant dense<0.000000e+00> : vector<512x1024xf32>
      %dot_general3A_143 = tpu.matmul %convert_element_type3A_138, %get3A_141, %dot_general3A_142 {dimension_numbers = #tpu.dot_dimension_numbers<[1], [0], [0], [1], [0, 0, 1, 1], [], []>, transpose_lhs_hint = false} : vector<512x512xbf16>, vector<512x1024xbf16>, vector<512x1024xf32> -> vector<512x1024xf32>
      %add3A_144 = arith.addf %add3A_119, %dot_general3A_143 : vector<512x1024xf32>
      %swap3A = arith.constant 0 : index
      %swap3A_145 = arith.constant 0 : index
      %swap3A_146 = vector.load %arg9[%swap3A, %swap3A_145] : memref<512x1024xf32, #tpu.memory_space<vmem>>, vector<512x1024xf32>
      tpu.vector_store %arg9[%swap3A, %swap3A_145], %add3A_144 {strides = array<i32>} : memref<512x1024xf32, #tpu.memory_space<vmem>>, vector<512x1024xf32>,
    } else {
    }
    %mul3A = arith.constant 512 : i32
    %mul3A_2 = arith.muli %arg0, %mul3A : i32
    %add3A = arith.constant 512 : i32
    %add3A_3 = arith.addi %mul3A_2, %add3A : i32
    %get3A = arith.constant 1 : index
    %get3A_4 = memref.load %arg2[%get3A] : memref<9xi32, #tpu.memory_space<smem>>
    %le3A = arith.cmpi sle, %get3A_4, %mul3A_2 : i32
    %convert_element_type3A_5 = arith.extui %le3A : i1 to i32
    %add3A_6 = arith.constant 0 : i32
    %add3A_7 = arith.addi %add3A_6, %convert_element_type3A_5 : i32
    %get3A_8 = arith.constant 0 : index
    %get3A_9 = memref.load %arg2[%get3A_8] : memref<9xi32, #tpu.memory_space<smem>>
    %lt3A = arith.cmpi slt, %get3A_9, %add3A_3 : i32
    %convert_element_type3A_10 = arith.extui %lt3A : i1 to i32
    %add3A_11 = arith.constant 0 : i32
    %add3A_12 = arith.addi %add3A_11, %convert_element_type3A_10 : i32
    %get3A_13 = arith.constant 2 : index
    %get3A_14 = memref.load %arg2[%get3A_13] : memref<9xi32, #tpu.memory_space<smem>>
    %le3A_15 = arith.cmpi sle, %get3A_14, %mul3A_2 : i32
    %convert_element_type3A_16 = arith.extui %le3A_15 : i1 to i32
    %add3A_17 = arith.addi %add3A_7, %convert_element_type3A_16 : i32
    %get3A_18 = arith.constant 1 : index
    %get3A_19 = memref.load %arg2[%get3A_18] : memref<9xi32, #tpu.memory_space<smem>>
    %lt3A_20 = arith.cmpi slt, %get3A_19, %add3A_3 : i32
    %convert_element_type3A_21 = arith.extui %lt3A_20 : i1 to i32
    %add3A_22 = arith.addi %add3A_12, %convert_element_type3A_21 : i32
    %get3A_23 = arith.constant 3 : index
    %get3A_24 = memref.load %arg2[%get3A_23] : memref<9xi32, #tpu.memory_space<smem>>
    %le3A_25 = arith.cmpi sle, %get3A_24, %mul3A_2 : i32
    %convert_element_type3A_26 = arith.extui %le3A_25 : i1 to i32
    %add3A_27 = arith.addi %add3A_17, %convert_element_type3A_26 : i32
    %get3A_28 = arith.constant 2 : index
    %get3A_29 = memref.load %arg2[%get3A_28] : memref<9xi32, #tpu.memory_space<smem>>
    %lt3A_30 = arith.cmpi slt, %get3A_29, %add3A_3 : i32
    %convert_element_type3A_31 = arith.extui %lt3A_30 : i1 to i32
    %add3A_32 = arith.addi %add3A_22, %convert_element_type3A_31 : i32
    %get3A_33 = arith.constant 4 : index
    %get3A_34 = memref.load %arg2[%get3A_33] : memref<9xi32, #tpu.memory_space<smem>>
    %le3A_35 = arith.cmpi sle, %get3A_34, %mul3A_2 : i32
    %convert_element_type3A_36 = arith.extui %le3A_35 : i1 to i32
    %add3A_37 = arith.addi %add3A_27, %convert_element_type3A_36 : i32
    %get3A_38 = arith.constant 3 : index
    %get3A_39 = memref.load %arg2[%get3A_38] : memref<9xi32, #tpu.memory_space<smem>>
    %lt3A_40 = arith.cmpi slt, %get3A_39, %add3A_3 : i32
    %convert_element_type3A_41 = arith.extui %lt3A_40 : i1 to i32
    %add3A_42 = arith.addi %add3A_32, %convert_element_type3A_41 : i32
    %get3A_43 = arith.constant 5 : index
    %get3A_44 = memref.load %arg2[%get3A_43] : memref<9xi32, #tpu.memory_space<smem>>
    %le3A_45 = arith.cmpi sle, %get3A_44, %mul3A_2 : i32
    %convert_element_type3A_46 = arith.extui %le3A_45 : i1 to i32
    %add3A_47 = arith.addi %add3A_37, %convert_element_type3A_46 : i32
    %get3A_48 = arith.constant 4 : index
    %get3A_49 = memref.load %arg2[%get3A_48] : memref<9xi32, #tpu.memory_space<smem>>
    %lt3A_50 = arith.cmpi slt, %get3A_49, %add3A_3 : i32
    %convert_element_type3A_51 = arith.extui %lt3A_50 : i1 to i32
    %add3A_52 = arith.addi %add3A_42, %convert_element_type3A_51 : i32
    %get3A_53 = arith.constant 6 : index
    %get3A_54 = memref.load %arg2[%get3A_53] : memref<9xi32, #tpu.memory_space<smem>>
    %le3A_55 = arith.cmpi sle, %get3A_54, %mul3A_2 : i32
    %convert_element_type3A_56 = arith.extui %le3A_55 : i1 to i32
    %add3A_57 = arith.addi %add3A_47, %convert_element_type3A_56 : i32
    %get3A_58 = arith.constant 5 : index
    %get3A_59 = memref.load %arg2[%get3A_58] : memref<9xi32, #tpu.memory_space<smem>>
    %lt3A_60 = arith.cmpi slt, %get3A_59, %add3A_3 : i32
    %convert_element_type3A_61 = arith.extui %lt3A_60 : i1 to i32
    %add3A_62 = arith.addi %add3A_52, %convert_element_type3A_61 : i32
    %get3A_63 = arith.constant 7 : index
    %get3A_64 = memref.load %arg2[%get3A_63] : memref<9xi32, #tpu.memory_space<smem>>
    %le3A_65 = arith.cmpi sle, %get3A_64, %mul3A_2 : i32
    %convert_element_type3A_66 = arith.extui %le3A_65 : i1 to i32
    %add3A_67 = arith.addi %add3A_57, %convert_element_type3A_66 : i32
    %get3A_68 = arith.constant 6 : index
    %get3A_69 = memref.load %arg2[%get3A_68] : memref<9xi32, #tpu.memory_space<smem>>
    %lt3A_70 = arith.cmpi slt, %get3A_69, %add3A_3 : i32
    %convert_element_type3A_71 = arith.extui %lt3A_70 : i1 to i32
    %add3A_72 = arith.addi %add3A_62, %convert_element_type3A_71 : i32
    %get3A_73 = arith.constant 8 : index
    %get3A_74 = memref.load %arg2[%get3A_73] : memref<9xi32, #tpu.memory_space<smem>>
    %le3A_75 = arith.cmpi sle, %get3A_74, %mul3A_2 : i32
    %convert_element_type3A_76 = arith.extui %le3A_75 : i1 to i32
    %add3A_77 = arith.addi %add3A_67, %convert_element_type3A_76 : i32
    %get3A_78 = arith.constant 7 : index
    %get3A_79 = memref.load %arg2[%get3A_78] : memref<9xi32, #tpu.memory_space<smem>>
    %lt3A_80 = arith.cmpi slt, %get3A_79, %add3A_3 : i32
    %convert_element_type3A_81 = arith.extui %lt3A_80 : i1 to i32
    %add3A_82 = arith.addi %add3A_72, %convert_element_type3A_81 : i32
    %sub3A = arith.constant 1 : i32
    %sub3A_83 = arith.subi %add3A_82, %sub3A : i32
    %sub3A_84 = arith.constant 1 : i32
    %sub3A_85 = arith.subi %arg1, %sub3A_84 : i32
    %gt3A = arith.constant 0 : i32
    %gt3A_86 = arith.cmpi sgt, %arg1, %gt3A : i32
    %ge3A = arith.cmpi sge, %sub3A_85, %add3A_77 : i32
    %and3A = arith.andi %gt3A_86, %ge3A : i1
    %le3A_87 = arith.cmpi sle, %sub3A_85, %sub3A_83 : i32
    %and3A_88 = arith.andi %and3A, %le3A_87 : i1
    %convert_element_type3A_89 = arith.extui %and3A_88 : i1 to i32
    %cond3A_90 = arith.constant 0 : i32
    %cond3A_91 = arith.cmpi ne, %convert_element_type3A_89, %cond3A_90 : i32
    scf.if %cond3A_91 {
      %add3A_92 = arith.constant 1 : i32
      %add3A_93 = arith.addi %sub3A_85, %add3A_92 : i32
      %sub3A_94 = arith.constant 1 : i32
      %sub3A_95 = arith.subi %add3A_93, %sub3A_94 : i32
      %get3A_96 = arith.index_cast %sub3A_95 : i32 to index
      %get3A_97 = memref.load %arg2[%get3A_96] : memref<9xi32, #tpu.memory_space<smem>>
      %add3A_98 = arith.constant 1 : i32
      %add3A_99 = arith.addi %sub3A_85, %add3A_98 : i32
      %get3A_100 = arith.index_cast %add3A_99 : i32 to index
      %get3A_101 = memref.load %arg2[%get3A_100] : memref<9xi32, #tpu.memory_space<smem>>
      %mul3A_102 = arith.constant 512 : i32
      %mul3A_103 = arith.muli %arg0, %mul3A_102 : i32
      %iota3A = tpu.iota {dimensions = array<i32: 0>} : vector<512x1xi32>
      %add3A_104 = vector.broadcast %mul3A_103 : i32 to vector<512x1xi32>
      %add3A_105 = arith.addi %add3A_104, %iota3A : vector<512x1xi32>
      %ge3A_106 = vector.broadcast %get3A_97 : i32 to vector<512x1xi32>
      %ge3A_107 = arith.cmpi sge, %add3A_105, %ge3A_106 : vector<512x1xi32>
      %lt3A_108 = vector.broadcast %get3A_101 : i32 to vector<512x1xi32>
      %lt3A_109 = arith.cmpi slt, %add3A_105, %lt3A_108 : vector<512x1xi32>
      %and3A_110 = arith.andi %ge3A_107, %lt3A_109 : vector<512x1xi1>
      %get3A_111 = arith.constant 0 : index
      %get3A_112 = arith.constant 0 : index
      %get3A_113 = vector.load %arg4[%get3A_111, %get3A_112] : memref<512x1xf32, #tpu.memory_space<vmem>>, vector<512x1xf32>
      %jit3A = arith.constant 0.000000e+00 : f32
      %broadcast_in_dim3A = vector.broadcast %jit3A : f32 to vector<512x1xf32>
      %select_n3A = arith.select %and3A_110, %get3A_113, %broadcast_in_dim3A : vector<512x1xi1>, vector<512x1xf32>
      %get3A_114 = arith.constant 0 : index
      %get3A_115 = arith.constant 0 : index
      %get3A_116 = vector.load %arg3[%get3A_114, %get3A_115] : memref<512x1024xf32, #tpu.memory_space<vmem>>, vector<512x1024xf32>
      %mul3A_117 = vector.broadcast %select_n3A : vector<512x1xf32> to vector<512x1024xf32>
      %mul3A_118 = arith.mulf %get3A_116, %mul3A_117 : vector<512x1024xf32>
      %convert_element_type3A_119 = arith.truncf %mul3A_118 : vector<512x1024xf32> to vector<512x1024xbf16>
      %broadcast_in_dim3A_120 = arith.constant 0.000000e+00 : f32
      %broadcast_in_dim3A_121 = vector.broadcast %broadcast_in_dim3A_120 : f32 to vector<512x1024xf32>
      %get3A_122 = arith.constant 0 : i32
      %get3A_123 = arith.constant 0 : i32
      %get3A_124 = arith.constant 0 : i32
      %get3A_125 = tpu.memref_slice %arg5[%get3A_122, %get3A_123, %get3A_124] : memref<1x1024x2048xf32, #tpu.memory_space<vmem>> -> memref<1x1024x2048xf32, #tpu.memory_space<vmem>>
      %get3A_126 = tpu.memref_squeeze %get3A_125 : memref<1x1024x2048xf32, #tpu.memory_space<vmem>> -> memref<1024x2048xf32, #tpu.memory_space<vmem>>
      %get3A_127 = arith.constant 0 : index
      %get3A_128 = arith.constant 0 : index
      %get3A_129 = vector.load %get3A_126[%get3A_127, %get3A_128] : memref<1024x2048xf32, #tpu.memory_space<vmem>>, vector<1024x512xf32>
      %convert_element_type3A_130 = arith.truncf %get3A_129 : vector<1024x512xf32> to vector<1024x512xbf16>
      %dot_general3A = arith.constant dense<0.000000e+00> : vector<512x512xf32>
      %dot_general3A_131 = tpu.matmul %convert_element_type3A_119, %convert_element_type3A_130, %dot_general3A {dimension_numbers = #tpu.dot_dimension_numbers<[1], [0], [0], [1], [0, 0, 1, 1], [], []>, transpose_lhs_hint = false} : vector<512x1024xbf16>, vector<1024x512xbf16>, vector<512x512xf32> -> vector<512x512xf32>
      %get3A_132 = arith.constant 0 : i32
      %get3A_133 = arith.constant 0 : i32
      %get3A_134 = arith.constant 0 : i32
      %get3A_135 = tpu.memref_slice %arg5[%get3A_132, %get3A_133, %get3A_134] : memref<1x1024x2048xf32, #tpu.memory_space<vmem>> -> memref<1x1024x2048xf32, #tpu.memory_space<vmem>>
      %get3A_136 = tpu.memref_squeeze %get3A_135 : memref<1x1024x2048xf32, #tpu.memory_space<vmem>> -> memref<1024x2048xf32, #tpu.memory_space<vmem>>
      %get3A_137 = arith.constant 0 : index
      %get3A_138 = arith.constant 1024 : index
      %get3A_139 = vector.load %get3A_136[%get3A_137, %get3A_138] : memref<1024x2048xf32, #tpu.memory_space<vmem>>, vector<1024x512xf32>
      %convert_element_type3A_140 = arith.truncf %get3A_139 : vector<1024x512xf32> to vector<1024x512xbf16>
      %dot_general3A_141 = arith.constant dense<0.000000e+00> : vector<512x512xf32>
      %dot_general3A_142 = tpu.matmul %convert_element_type3A_119, %convert_element_type3A_140, %dot_general3A_141 {dimension_numbers = #tpu.dot_dimension_numbers<[1], [0], [0], [1], [0, 0, 1, 1], [], []>, transpose_lhs_hint = false} : vector<512x1024xbf16>, vector<1024x512xbf16>, vector<512x512xf32> -> vector<512x512xf32>
      %logistic3A = arith.negf %dot_general3A_131 : vector<512x512xf32>
      %logistic3A_143 = math.exp %logistic3A : vector<512x512xf32>
      %logistic3A_144 = arith.constant 1.000000e+00 : f32
      %logistic3A_145 = vector.broadcast %logistic3A_144 : f32 to vector<512x512xf32>
      %logistic3A_146 = arith.addf %logistic3A_145, %logistic3A_143 : vector<512x512xf32>
      %logistic3A_147 = arith.divf %logistic3A_145, %logistic3A_146 : vector<512x512xf32>
      %mul3A_148 = arith.mulf %dot_general3A_131, %logistic3A_147 : vector<512x512xf32>
      %mul3A_149 = arith.mulf %mul3A_148, %dot_general3A_142 : vector<512x512xf32>
      %convert_element_type3A_150 = arith.truncf %mul3A_149 : vector<512x512xf32> to vector<512x512xbf16>
      %get3A_151 = arith.constant 0 : i32
      %get3A_152 = arith.constant 0 : i32
      %get3A_153 = arith.constant 0 : i32
      %get3A_154 = tpu.memref_slice %arg6[%get3A_151, %get3A_152, %get3A_153] : memref<1x1024x1024xf32, #tpu.memory_space<vmem>> -> memref<1x1024x1024xf32, #tpu.memory_space<vmem>>
      %get3A_155 = tpu.memref_squeeze %get3A_154 : memref<1x1024x1024xf32, #tpu.memory_space<vmem>> -> memref<1024x1024xf32, #tpu.memory_space<vmem>>
      %get3A_156 = arith.constant 0 : index
      %get3A_157 = arith.constant 0 : index
      %get3A_158 = vector.load %get3A_155[%get3A_156, %get3A_157] : memref<1024x1024xf32, #tpu.memory_space<vmem>>, vector<512x1024xf32>
      %convert_element_type3A_159 = arith.truncf %get3A_158 : vector<512x1024xf32> to vector<512x1024xbf16>
      %dot_general3A_160 = arith.constant dense<0.000000e+00> : vector<512x1024xf32>
      %dot_general3A_161 = tpu.matmul %convert_element_type3A_150, %convert_element_type3A_159, %dot_general3A_160 {dimension_numbers = #tpu.dot_dimension_numbers<[1], [0], [0], [1], [0, 0, 1, 1], [], []>, transpose_lhs_hint = false} : vector<512x512xbf16>, vector<512x1024xbf16>, vector<512x1024xf32> -> vector<512x1024xf32>
      %add3A_162 = arith.addf %broadcast_in_dim3A_121, %dot_general3A_161 : vector<512x1024xf32>
      %get3A_163 = arith.constant 0 : i32
      %get3A_164 = arith.constant 0 : i32
      %get3A_165 = arith.constant 0 : i32
      %get3A_166 = tpu.memref_slice %arg5[%get3A_163, %get3A_164, %get3A_165] : memref<1x1024x2048xf32, #tpu.memory_space<vmem>> -> memref<1x1024x2048xf32, #tpu.memory_space<vmem>>
      %get3A_167 = tpu.memref_squeeze %get3A_166 : memref<1x1024x2048xf32, #tpu.memory_space<vmem>> -> memref<1024x2048xf32, #tpu.memory_space<vmem>>
      %get3A_168 = arith.constant 0 : index
      %get3A_169 = arith.constant 512 : index
      %get3A_170 = vector.load %get3A_167[%get3A_168, %get3A_169] : memref<1024x2048xf32, #tpu.memory_space<vmem>>, vector<1024x512xf32>
      %convert_element_type3A_171 = arith.truncf %get3A_170 : vector<1024x512xf32> to vector<1024x512xbf16>
      %dot_general3A_172 = arith.constant dense<0.000000e+00> : vector<512x512xf32>
      %dot_general3A_173 = tpu.matmul %convert_element_type3A_119, %convert_element_type3A_171, %dot_general3A_172 {dimension_numbers = #tpu.dot_dimension_numbers<[1], [0], [0], [1], [0, 0, 1, 1], [], []>, transpose_lhs_hint = false} : vector<512x1024xbf16>, vector<1024x512xbf16>, vector<512x512xf32> -> vector<512x512xf32>
      %get3A_174 = arith.constant 0 : i32
      %get3A_175 = arith.constant 0 : i32
      %get3A_176 = arith.constant 0 : i32
      %get3A_177 = tpu.memref_slice %arg5[%get3A_174, %get3A_175, %get3A_176] : memref<1x1024x2048xf32, #tpu.memory_space<vmem>> -> memref<1x1024x2048xf32, #tpu.memory_space<vmem>>
      %get3A_178 = tpu.memref_squeeze %get3A_177 : memref<1x1024x2048xf32, #tpu.memory_space<vmem>> -> memref<1024x2048xf32, #tpu.memory_space<vmem>>
      %get3A_179 = arith.constant 0 : index
      %get3A_180 = arith.constant 1536 : index
      %get3A_181 = vector.load %get3A_178[%get3A_179, %get3A_180] : memref<1024x2048xf32, #tpu.memory_space<vmem>>, vector<1024x512xf32>
      %convert_element_type3A_182 = arith.truncf %get3A_181 : vector<1024x512xf32> to vector<1024x512xbf16>
      %dot_general3A_183 = arith.constant dense<0.000000e+00> : vector<512x512xf32>
      %dot_general3A_184 = tpu.matmul %convert_element_type3A_119, %convert_element_type3A_182, %dot_general3A_183 {dimension_numbers = #tpu.dot_dimension_numbers<[1], [0], [0], [1], [0, 0, 1, 1], [], []>, transpose_lhs_hint = false} : vector<512x1024xbf16>, vector<1024x512xbf16>, vector<512x512xf32> -> vector<512x512xf32>
      %logistic3A_185 = arith.negf %dot_general3A_173 : vector<512x512xf32>
      %logistic3A_186 = math.exp %logistic3A_185 : vector<512x512xf32>
      %logistic3A_187 = arith.constant 1.000000e+00 : f32
      %logistic3A_188 = vector.broadcast %logistic3A_187 : f32 to vector<512x512xf32>
      %logistic3A_189 = arith.addf %logistic3A_188, %logistic3A_186 : vector<512x512xf32>
      %logistic3A_190 = arith.divf %logistic3A_188, %logistic3A_189 : vector<512x512xf32>
      %mul3A_191 = arith.mulf %dot_general3A_173, %logistic3A_190 : vector<512x512xf32>
      %mul3A_192 = arith.mulf %mul3A_191, %dot_general3A_184 : vector<512x512xf32>
      %convert_element_type3A_193 = arith.truncf %mul3A_192 : vector<512x512xf32> to vector<512x512xbf16>
      %get3A_194 = arith.constant 0 : i32
      %get3A_195 = arith.constant 0 : i32
      %get3A_196 = arith.constant 0 : i32
      %get3A_197 = tpu.memref_slice %arg6[%get3A_194, %get3A_195, %get3A_196] : memref<1x1024x1024xf32, #tpu.memory_space<vmem>> -> memref<1x1024x1024xf32, #tpu.memory_space<vmem>>
      %get3A_198 = tpu.memref_squeeze %get3A_197 : memref<1x1024x1024xf32, #tpu.memory_space<vmem>> -> memref<1024x1024xf32, #tpu.memory_space<vmem>>
      %get3A_199 = arith.constant 512 : index
      %get3A_200 = arith.constant 0 : index
      %get3A_201 = vector.load %get3A_198[%get3A_199, %get3A_200] : memref<1024x1024xf32, #tpu.memory_space<vmem>>, vector<512x1024xf32>
      %convert_element_type3A_202 = arith.truncf %get3A_201 : vector<512x1024xf32> to vector<512x1024xbf16>
      %dot_general3A_203 = arith.constant dense<0.000000e+00> : vector<512x1024xf32>
      %dot_general3A_204 = tpu.matmul %convert_element_type3A_193, %convert_element_type3A_202, %dot_general3A_203 {dimension_numbers = #tpu.dot_dimension_numbers<[1], [0], [0], [1], [0, 0, 1, 1], [], []>, transpose_lhs_hint = false} : vector<512x512xbf16>, vector<512x1024xbf16>, vector<512x1024xf32> -> vector<512x1024xf32>
      %add3A_205 = arith.addf %add3A_162, %dot_general3A_204 : vector<512x1024xf32>
      %get3A_206 = arith.constant 0 : index
      %get3A_207 = arith.constant 0 : index
      %get3A_208 = vector.load %arg9[%get3A_206, %get3A_207] : memref<512x1024xf32, #tpu.memory_space<vmem>>, vector<512x1024xf32>
      %add3A_209 = arith.addf %get3A_208, %add3A_205 : vector<512x1024xf32>
      %swap3A = arith.constant 0 : index
      %swap3A_210 = arith.constant 0 : index
      %swap3A_211 = vector.load %arg9[%swap3A, %swap3A_210] : memref<512x1024xf32, #tpu.memory_space<vmem>>, vector<512x1024xf32>
      tpu.vector_store %arg9[%swap3A, %swap3A_210], %add3A_209 {strides = array<i32>} : memref<512x1024xf32, #tpu.memory_space<vmem>>, vector<512x1024xf32>,
    } else {
    }
    return
  }
  func.func @transform_0(%arg0: i32, %arg1: i32, %arg2: memref<9xi32, #tpu.memory_space<smem>>) -> (i32, i32) {
    %c0_i32 = arith.constant 0 : i32
    %c0_i32_0 = arith.constant 0 : i32
    return %arg0, %c0_i32 : i32, i32
  }
  func.func @transform_1(%arg0: i32, %arg1: i32, %arg2: memref<9xi32, #tpu.memory_space<smem>>) -> (i32, i32) {
    %c0_i32 = arith.constant 0 : i32
    %c0_i32_0 = arith.constant 0 : i32
    return %arg0, %c0_i32 : i32, i32
  }
  func.func @transform_2(%arg0: i32, %arg1: i32, %arg2: memref<9xi32, #tpu.memory_space<smem>>) -> (i32, i32, i32) {
    %mul3A = arith.constant 512 : i32
    %mul3A_0 = arith.muli %arg0, %mul3A : i32
    %add3A = arith.constant 512 : i32
    %add3A_1 = arith.addi %mul3A_0, %add3A : i32
    %get3A = arith.constant 1 : index
    %get3A_2 = memref.load %arg2[%get3A] : memref<9xi32, #tpu.memory_space<smem>>
    %le3A = arith.cmpi sle, %get3A_2, %mul3A_0 : i32
    %convert_element_type3A = arith.extui %le3A : i1 to i32
    %add3A_3 = arith.constant 0 : i32
    %add3A_4 = arith.addi %add3A_3, %convert_element_type3A : i32
    %get3A_5 = arith.constant 0 : index
    %get3A_6 = memref.load %arg2[%get3A_5] : memref<9xi32, #tpu.memory_space<smem>>
    %lt3A = arith.cmpi slt, %get3A_6, %add3A_1 : i32
    %convert_element_type3A_7 = arith.extui %lt3A : i1 to i32
    %add3A_8 = arith.constant 0 : i32
    %add3A_9 = arith.addi %add3A_8, %convert_element_type3A_7 : i32
    %get3A_10 = arith.constant 2 : index
    %get3A_11 = memref.load %arg2[%get3A_10] : memref<9xi32, #tpu.memory_space<smem>>
    %le3A_12 = arith.cmpi sle, %get3A_11, %mul3A_0 : i32
    %convert_element_type3A_13 = arith.extui %le3A_12 : i1 to i32
    %add3A_14 = arith.addi %add3A_4, %convert_element_type3A_13 : i32
    %get3A_15 = arith.constant 1 : index
    %get3A_16 = memref.load %arg2[%get3A_15] : memref<9xi32, #tpu.memory_space<smem>>
    %lt3A_17 = arith.cmpi slt, %get3A_16, %add3A_1 : i32
    %convert_element_type3A_18 = arith.extui %lt3A_17 : i1 to i32
    %add3A_19 = arith.addi %add3A_9, %convert_element_type3A_18 : i32
    %get3A_20 = arith.constant 3 : index
    %get3A_21 = memref.load %arg2[%get3A_20] : memref<9xi32, #tpu.memory_space<smem>>
    %le3A_22 = arith.cmpi sle, %get3A_21, %mul3A_0 : i32
    %convert_element_type3A_23 = arith.extui %le3A_22 : i1 to i32
    %add3A_24 = arith.addi %add3A_14, %convert_element_type3A_23 : i32
    %get3A_25 = arith.constant 2 : index
    %get3A_26 = memref.load %arg2[%get3A_25] : memref<9xi32, #tpu.memory_space<smem>>
    %lt3A_27 = arith.cmpi slt, %get3A_26, %add3A_1 : i32
    %convert_element_type3A_28 = arith.extui %lt3A_27 : i1 to i32
    %add3A_29 = arith.addi %add3A_19, %convert_element_type3A_28 : i32
    %get3A_30 = arith.constant 4 : index
    %get3A_31 = memref.load %arg2[%get3A_30] : memref<9xi32, #tpu.memory_space<smem>>
    %le3A_32 = arith.cmpi sle, %get3A_31, %mul3A_0 : i32
    %convert_element_type3A_33 = arith.extui %le3A_32 : i1 to i32
    %add3A_34 = arith.addi %add3A_24, %convert_element_type3A_33 : i32
    %get3A_35 = arith.constant 3 : index
    %get3A_36 = memref.load %arg2[%get3A_35] : memref<9xi32, #tpu.memory_space<smem>>
    %lt3A_37 = arith.cmpi slt, %get3A_36, %add3A_1 : i32
    %convert_element_type3A_38 = arith.extui %lt3A_37 : i1 to i32
    %add3A_39 = arith.addi %add3A_29, %convert_element_type3A_38 : i32
    %get3A_40 = arith.constant 5 : index
    %get3A_41 = memref.load %arg2[%get3A_40] : memref<9xi32, #tpu.memory_space<smem>>
    %le3A_42 = arith.cmpi sle, %get3A_41, %mul3A_0 : i32
    %convert_element_type3A_43 = arith.extui %le3A_42 : i1 to i32
    %add3A_44 = arith.addi %add3A_34, %convert_element_type3A_43 : i32
    %get3A_45 = arith.constant 4 : index
    %get3A_46 = memref.load %arg2[%get3A_45] : memref<9xi32, #tpu.memory_space<smem>>
    %lt3A_47 = arith.cmpi slt, %get3A_46, %add3A_1 : i32
    %convert_element_type3A_48 = arith.extui %lt3A_47 : i1 to i32
    %add3A_49 = arith.addi %add3A_39, %convert_element_type3A_48 : i32
    %get3A_50 = arith.constant 6 : index
    %get3A_51 = memref.load %arg2[%get3A_50] : memref<9xi32, #tpu.memory_space<smem>>
    %le3A_52 = arith.cmpi sle, %get3A_51, %mul3A_0 : i32
    %convert_element_type3A_53 = arith.extui %le3A_52 : i1 to i32
    %add3A_54 = arith.addi %add3A_44, %convert_element_type3A_53 : i32
    %get3A_55 = arith.constant 5 : index
    %get3A_56 = memref.load %arg2[%get3A_55] : memref<9xi32, #tpu.memory_space<smem>>
    %lt3A_57 = arith.cmpi slt, %get3A_56, %add3A_1 : i32
    %convert_element_type3A_58 = arith.extui %lt3A_57 : i1 to i32
    %add3A_59 = arith.addi %add3A_49, %convert_element_type3A_58 : i32
    %get3A_60 = arith.constant 7 : index
    %get3A_61 = memref.load %arg2[%get3A_60] : memref<9xi32, #tpu.memory_space<smem>>
    %le3A_62 = arith.cmpi sle, %get3A_61, %mul3A_0 : i32
    %convert_element_type3A_63 = arith.extui %le3A_62 : i1 to i32
    %add3A_64 = arith.addi %add3A_54, %convert_element_type3A_63 : i32
    %get3A_65 = arith.constant 6 : index
    %get3A_66 = memref.load %arg2[%get3A_65] : memref<9xi32, #tpu.memory_space<smem>>
    %lt3A_67 = arith.cmpi slt, %get3A_66, %add3A_1 : i32
    %convert_element_type3A_68 = arith.extui %lt3A_67 : i1 to i32
    %add3A_69 = arith.addi %add3A_59, %convert_element_type3A_68 : i32
    %get3A_70 = arith.constant 8 : index
    %get3A_71 = memref.load %arg2[%get3A_70] : memref<9xi32, #tpu.memory_space<smem>>
    %le3A_72 = arith.cmpi sle, %get3A_71, %mul3A_0 : i32
    %convert_element_type3A_73 = arith.extui %le3A_72 : i1 to i32
    %add3A_74 = arith.addi %add3A_64, %convert_element_type3A_73 : i32
    %get3A_75 = arith.constant 7 : index
    %get3A_76 = memref.load %arg2[%get3A_75] : memref<9xi32, #tpu.memory_space<smem>>
    %lt3A_77 = arith.cmpi slt, %get3A_76, %add3A_1 : i32
    %convert_element_type3A_78 = arith.extui %lt3A_77 : i1 to i32
    %add3A_79 = arith.addi %add3A_69, %convert_element_type3A_78 : i32
    %sub3A = arith.constant 1 : i32
    %sub3A_80 = arith.subi %add3A_79, %sub3A : i32
    %sub3A_81 = arith.constant 1 : i32
    %sub3A_82 = arith.subi %arg1, %sub3A_81 : i32
    %max3A = arith.maxsi %add3A_74, %sub3A_82 : i32
    %min3A = arith.minsi %sub3A_80, %max3A : i32
    %c0_i32 = arith.constant 0 : i32
    %c0_i32_83 = arith.constant 0 : i32
    %c0_i32_84 = arith.constant 0 : i32
    return %min3A, %c0_i32, %c0_i32_83 : i32, i32, i32
  }
  func.func @transform_3(%arg0: i32, %arg1: i32, %arg2: memref<9xi32, #tpu.memory_space<smem>>) -> (i32, i32, i32) {
    %mul3A = arith.constant 512 : i32
    %mul3A_0 = arith.muli %arg0, %mul3A : i32
    %add3A = arith.constant 512 : i32
    %add3A_1 = arith.addi %mul3A_0, %add3A : i32
    %get3A = arith.constant 1 : index
    %get3A_2 = memref.load %arg2[%get3A] : memref<9xi32, #tpu.memory_space<smem>>
    %le3A = arith.cmpi sle, %get3A_2, %mul3A_0 : i32
    %convert_element_type3A = arith.extui %le3A : i1 to i32
    %add3A_3 = arith.constant 0 : i32
    %add3A_4 = arith.addi %add3A_3, %convert_element_type3A : i32
    %get3A_5 = arith.constant 0 : index
    %get3A_6 = memref.load %arg2[%get3A_5] : memref<9xi32, #tpu.memory_space<smem>>
    %lt3A = arith.cmpi slt, %get3A_6, %add3A_1 : i32
    %convert_element_type3A_7 = arith.extui %lt3A : i1 to i32
    %add3A_8 = arith.constant 0 : i32
    %add3A_9 = arith.addi %add3A_8, %convert_element_type3A_7 : i32
    %get3A_10 = arith.constant 2 : index
    %get3A_11 = memref.load %arg2[%get3A_10] : memref<9xi32, #tpu.memory_space<smem>>
    %le3A_12 = arith.cmpi sle, %get3A_11, %mul3A_0 : i32
    %convert_element_type3A_13 = arith.extui %le3A_12 : i1 to i32
    %add3A_14 = arith.addi %add3A_4, %convert_element_type3A_13 : i32
    %get3A_15 = arith.constant 1 : index
    %get3A_16 = memref.load %arg2[%get3A_15] : memref<9xi32, #tpu.memory_space<smem>>
    %lt3A_17 = arith.cmpi slt, %get3A_16, %add3A_1 : i32
    %convert_element_type3A_18 = arith.extui %lt3A_17 : i1 to i32
    %add3A_19 = arith.addi %add3A_9, %convert_element_type3A_18 : i32
    %get3A_20 = arith.constant 3 : index
    %get3A_21 = memref.load %arg2[%get3A_20] : memref<9xi32, #tpu.memory_space<smem>>
    %le3A_22 = arith.cmpi sle, %get3A_21, %mul3A_0 : i32
    %convert_element_type3A_23 = arith.extui %le3A_22 : i1 to i32
    %add3A_24 = arith.addi %add3A_14, %convert_element_type3A_23 : i32
    %get3A_25 = arith.constant 2 : index
    %get3A_26 = memref.load %arg2[%get3A_25] : memref<9xi32, #tpu.memory_space<smem>>
    %lt3A_27 = arith.cmpi slt, %get3A_26, %add3A_1 : i32
    %convert_element_type3A_28 = arith.extui %lt3A_27 : i1 to i32
    %add3A_29 = arith.addi %add3A_19, %convert_element_type3A_28 : i32
    %get3A_30 = arith.constant 4 : index
    %get3A_31 = memref.load %arg2[%get3A_30] : memref<9xi32, #tpu.memory_space<smem>>
    %le3A_32 = arith.cmpi sle, %get3A_31, %mul3A_0 : i32
    %convert_element_type3A_33 = arith.extui %le3A_32 : i1 to i32
    %add3A_34 = arith.addi %add3A_24, %convert_element_type3A_33 : i32
    %get3A_35 = arith.constant 3 : index
    %get3A_36 = memref.load %arg2[%get3A_35] : memref<9xi32, #tpu.memory_space<smem>>
    %lt3A_37 = arith.cmpi slt, %get3A_36, %add3A_1 : i32
    %convert_element_type3A_38 = arith.extui %lt3A_37 : i1 to i32
    %add3A_39 = arith.addi %add3A_29, %convert_element_type3A_38 : i32
    %get3A_40 = arith.constant 5 : index
    %get3A_41 = memref.load %arg2[%get3A_40] : memref<9xi32, #tpu.memory_space<smem>>
    %le3A_42 = arith.cmpi sle, %get3A_41, %mul3A_0 : i32
    %convert_element_type3A_43 = arith.extui %le3A_42 : i1 to i32
    %add3A_44 = arith.addi %add3A_34, %convert_element_type3A_43 : i32
    %get3A_45 = arith.constant 4 : index
    %get3A_46 = memref.load %arg2[%get3A_45] : memref<9xi32, #tpu.memory_space<smem>>
    %lt3A_47 = arith.cmpi slt, %get3A_46, %add3A_1 : i32
    %convert_element_type3A_48 = arith.extui %lt3A_47 : i1 to i32
    %add3A_49 = arith.addi %add3A_39, %convert_element_type3A_48 : i32
    %get3A_50 = arith.constant 6 : index
    %get3A_51 = memref.load %arg2[%get3A_50] : memref<9xi32, #tpu.memory_space<smem>>
    %le3A_52 = arith.cmpi sle, %get3A_51, %mul3A_0 : i32
    %convert_element_type3A_53 = arith.extui %le3A_52 : i1 to i32
    %add3A_54 = arith.addi %add3A_44, %convert_element_type3A_53 : i32
    %get3A_55 = arith.constant 5 : index
    %get3A_56 = memref.load %arg2[%get3A_55] : memref<9xi32, #tpu.memory_space<smem>>
    %lt3A_57 = arith.cmpi slt, %get3A_56, %add3A_1 : i32
    %convert_element_type3A_58 = arith.extui %lt3A_57 : i1 to i32
    %add3A_59 = arith.addi %add3A_49, %convert_element_type3A_58 : i32
    %get3A_60 = arith.constant 7 : index
    %get3A_61 = memref.load %arg2[%get3A_60] : memref<9xi32, #tpu.memory_space<smem>>
    %le3A_62 = arith.cmpi sle, %get3A_61, %mul3A_0 : i32
    %convert_element_type3A_63 = arith.extui %le3A_62 : i1 to i32
    %add3A_64 = arith.addi %add3A_54, %convert_element_type3A_63 : i32
    %get3A_65 = arith.constant 6 : index
    %get3A_66 = memref.load %arg2[%get3A_65] : memref<9xi32, #tpu.memory_space<smem>>
    %lt3A_67 = arith.cmpi slt, %get3A_66, %add3A_1 : i32
    %convert_element_type3A_68 = arith.extui %lt3A_67 : i1 to i32
    %add3A_69 = arith.addi %add3A_59, %convert_element_type3A_68 : i32
    %get3A_70 = arith.constant 8 : index
    %get3A_71 = memref.load %arg2[%get3A_70] : memref<9xi32, #tpu.memory_space<smem>>
    %le3A_72 = arith.cmpi sle, %get3A_71, %mul3A_0 : i32
    %convert_element_type3A_73 = arith.extui %le3A_72 : i1 to i32
    %add3A_74 = arith.addi %add3A_64, %convert_element_type3A_73 : i32
    %get3A_75 = arith.constant 7 : index
    %get3A_76 = memref.load %arg2[%get3A_75] : memref<9xi32, #tpu.memory_space<smem>>
    %lt3A_77 = arith.cmpi slt, %get3A_76, %add3A_1 : i32
    %convert_element_type3A_78 = arith.extui %lt3A_77 : i1 to i32
    %add3A_79 = arith.addi %add3A_69, %convert_element_type3A_78 : i32
    %sub3A = arith.constant 1 : i32
    %sub3A_80 = arith.subi %add3A_79, %sub3A : i32
    %sub3A_81 = arith.constant 1 : i32
    %sub3A_82 = arith.subi %arg1, %sub3A_81 : i32
    %max3A = arith.maxsi %add3A_74, %sub3A_82 : i32
    %min3A = arith.minsi %sub3A_80, %max3A : i32
    %c0_i32 = arith.constant 0 : i32
    %c0_i32_83 = arith.constant 0 : i32
    %c0_i32_84 = arith.constant 0 : i32
    return %min3A, %c0_i32, %c0_i32_83 : i32, i32, i32
  }
  func.func @transform_4(%arg0: i32, %arg1: i32, %arg2: memref<9xi32, #tpu.memory_space<smem>>) -> (i32, i32) {
    %c0_i32 = arith.constant 0 : i32
    %c0_i32_0 = arith.constant 0 : i32
    %c0_i32_1 = arith.constant 0 : i32
    return %c0_i32, %c0_i32_0 : i32, i32
  }
  func.func @transform_5(%arg0: i32, %arg1: i32, %arg2: memref<9xi32, #tpu.memory_space<smem>>) -> (i32, i32) {
    %c0_i32 = arith.constant 0 : i32
    %c0_i32_0 = arith.constant 0 : i32
    %c0_i32_1 = arith.constant 0 : i32
    return %c0_i32, %c0_i32_0 : i32, i32
  }
  func.func @transform_6(%arg0: i32, %arg1: i32, %arg2: memref<9xi32, #tpu.memory_space<smem>>) -> (i32, i32) {
    %c0_i32 = arith.constant 0 : i32
    %c0_i32_0 = arith.constant 0 : i32
    return %arg0, %c0_i32 : i32, i32
  }
}

</mosaic_0001>

<sc_bundles>
// kernel: gather_offload_async_start.1
scs
__scs_entry_jumppad:
0x0: {  	(pc) =	sbr.rel $0x88, $3  }
0x1: {  	(tag) =	ssettag $0x0;
	lr =	simm.s32 $0x1  }
0x2: {  	[smem:$0x3F94] =	sst lr;
	_ =	strace $0xD0000000  }
0x3: {  	_ = 	snop  }
0x4: {  	_ = 	snop  }
0x5: {  	_ = 	snop  }
0x6: {  	_ = 	snop  }
0x7: {  	_ = 	snop  }
__scs_overlays_trampoline_lowered:
0x8: {  	[smem:$0x3FA3] =	sst s0  }
0x9: {  	[smem:$0x3FA4] =	sst s1  }
0xa: {  	[smem:$0x3FA5] =	sst s2  }
0xb: {  	[smem:$0x3FA6] =	sst s3  }
0xc: {  	[smem:$0x3FA7] =	sst s4  }
0xd: {  	[smem:$0x3FA8] =	sst s5  }
0xe: {  	[smem:$0x3FA9] =	sst s6  }
0xf: {  	[smem:$0x3FAA] =	sst s7  }
0x10: {  	[smem:$0x3FAB] =	sst s8  }
0x11: {  	[smem:$0x3FAC] =	sst s9;
	s0 =	simm.s32 @!p0 $0x0  }
0x12: {  	s1 =	sld [smem:$0x3F92];
	s0 =	simm.s32 @p0 $0x1  }
0x13: {  	[smem:$0x3FAD] =	sst s0;
	s0 =	simm.s32 @!p1 $0x0  }
0x14: {  	s2 =	sld [smem:$0x3F91];
	s0 =	simm.s32 @p1 $0x1  }
0x15: {  	[smem:$0x3FAE] =	sst s0;
	s0 =	simm.s32 @!p2 $0x0  }
0x16: {  	s3 =	sld [smem:$0x3FDB];
	s0 =	simm.s32 @p2 $0x1  }
0x17: {  	s4 =	simm.s32 $0x1BF5;
	[smem:$0x3FB0] =	sst s0  }
0x18: {  	s0 =	sld [smem:$0x3F93];
	_ =	swait.ge [sflag:s4], $0x0  }
0x19: {  	s7 =	sld [smem:$0x3F94]  }
0x1a: {  	s8 =	sadd.s32 $0xFFFFE003, lr  }
0x1b: {  	s9 =	sadd.s32 $0xFFFFFEF7, lr;
	s5 =	simm.s32 $0xFFFFFFFF;
	p2 =	slt.u32 s8, $0xFFFFF086  }
0x1c: {  	p1 =	slt.u32 s9, $0xF7A;
	s5 =	simm.s32 @!p2 $0x0  }
0x1d: {  	s5 =	simm.s32 @p1 $0x1;
	p0 =	seq.s32 s7, s2  }
0x1e: {  	s7 =	smul.u32 @!p0 $0xF7A, s2;
	p2 =	seq.s32 @!p0 s5, $0x0  }
0x1f: {  	s9 =	smul.u32 $0xF7A, s1;
	s8 =	simm.s32 @!p0 $0x1BF5;
	p2 =	por !p2, p0  }
0x20: {  	[sflag:s8] =	ssyncset.s32 @!p0 $0xFFFFF086;
	s6 =	sadd.s32 @!p0 s3, s7;
	s7 =	simm.s32 @!p0 $0x108  }
0x21: {  	s3 =	sadd.s32 s3, s9;
	s6 =	sadd.s32 @!p0 $0x88, s6;
	s7 =	simm.s32 @p2 $0x1082  }
0x22: {  	[simem:s7], [sflag:s8] =	dma.local @!p0 [hbm:s6], $0xF7A  }
0x23: {  	s9 =	sor.u32 $0xD0000000, s2;
	s6 =	simm.s32 $0x108;
	_ =	swait.ge @!p0 [sflag:s8], $0x0  }
0x24: {  	s3 =	sadd.s32 $0x88, s3;
	s6 =	simm.s32 @!p1 $0x1082;
	[sflag:s4] =	ssyncset.s32 $0xFFFFF086  }
0x25: {  	[simem:s6], [sflag:s4] =	dma.local [hbm:s3], $0xF7A  }
0x26: {  	[smem:$0x3F94] =	sst s1;
	(tag) =	ssettag s2;
	_ =	strace s9  }
0x27: {  	s1 =	sld [smem:$0x3FA4]  }
0x28: {  	s2 =	sld [smem:$0x3FA5]  }
0x29: {  	s4 =	sld [smem:$0x3FA7]  }
0x2a: {  	p0 =	seq.s32 s5, $0x0;
	s5 =	sld [smem:$0x3FA8]  }
0x2b: {  	s6 =	sld [smem:$0x3FA9]  }
0x2c: {  	s7 =	sld [smem:$0x3FAA]  }
0x2d: {  	s3 =	simm.s32 $0x108;
	s8 =	sld [smem:$0x3FAB]  }
0x2e: {  	s3 =	simm.s32 @!p0 $0x1082;
	s9 =	sld [smem:$0x3FAC]  }
0x2f: {  	lr =	sadd.s32 s0, s3;
	s0 =	sld [smem:$0x3FA3]  }
0x30: {  	s3 =	sld [smem:$0x3FA6]  }
0x31: {  	[smem:$0x3FAF] =	sst s10  }
0x32: {  	s10 =	sld [smem:$0x3FAD];
	_ =	sdelay $0x3  }
0x33: {  	p0 =	seq.s32 s10, $0x1;
	s10 =	sld [smem:$0x3FAF];
	_ =	sdelay $0x3  }
0x34: {  	[smem:$0x3FAF] =	sst s10  }
0x35: {  	s10 =	sld [smem:$0x3FAE];
	_ =	sdelay $0x3  }
0x36: {  	p1 =	seq.s32 s10, $0x1;
	s10 =	sld [smem:$0x3FAF];
	_ =	sdelay $0x3  }
0x37: {  	[smem:$0x3FAF] =	sst s10  }
0x38: {  	s10 =	sld [smem:$0x3FB0]  }
0x39: {  	_ = 	snop;
	(pc) =	sbr.ind lr, $3  }
0x3a: {  	_ = 	snop  }
0x3b: {  	_ = 	snop  }
0x3c: {  	p2 =	seq.s32 s10, $0x1;
	s10 =	sld [smem:$0x3FAF]  }
0x3d: {  	_ =	shalt  }
0x3e: {  	_ =	shalt  }
0x3f: {  	_ =	shalt  }
0x40: {  	_ =	shalt  }
0x41: {  	_ =	shalt  }
0x42: {  	_ =	shalt  }
0x43: {  	_ =	shalt  }
0x44: {  	_ =	shalt  }
0x45: {  	_ =	shalt  }
0x46: {  	_ =	shalt  }
0x47: {  	_ =	shalt  }
0x48: {  	_ =	shalt  }
0x49: {  	_ =	shalt  }
0x4a: {  	_ =	shalt  }
0x4b: {  	_ =	shalt  }
0x4c: {  	_ =	shalt  }
0x4d: {  	_ =	shalt  }
0x4e: {  	_ =	shalt  }
0x4f: {  	_ =	shalt  }
0x50: {  	_ =	shalt  }
0x51: {  	_ =	shalt  }
0x52: {  	_ =	shalt  }
0x53: {  	_ =	shalt  }
0x54: {  	_ =	shalt  }
0x55: {  	_ =	shalt  }
0x56: {  	_ =	shalt  }
0x57: {  	_ =	shalt  }
0x58: {  	_ =	shalt  }
0x59: {  	_ =	shalt  }
0x5a: {  	_ =	shalt  }
0x5b: {  	_ =	shalt  }
0x5c: {  	_ =	shalt  }
0x5d: {  	_ =	shalt  }
0x5e: {  	_ =	shalt  }
0x5f: {  	_ =	shalt  }
0x60: {  	_ =	shalt  }
0x61: {  	_ =	shalt  }
0x62: {  	_ =	shalt  }
0x63: {  	_ =	shalt  }
0x64: {  	_ =	shalt  }
0x65: {  	_ =	shalt  }
0x66: {  	_ =	shalt  }
0x67: {  	_ =	shalt  }
0x68: {  	_ =	shalt  }
0x69: {  	_ =	shalt  }
0x6a: {  	_ =	shalt  }
0x6b: {  	_ =	shalt  }
0x6c: {  	_ =	shalt  }
0x6d: {  	_ =	shalt  }
0x6e: {  	_ =	shalt  }
0x6f: {  	_ =	shalt  }
0x70: {  	_ =	shalt  }
0x71: {  	_ =	shalt  }
0x72: {  	_ =	shalt  }
0x73: {  	_ =	shalt  }
0x74: {  	_ =	shalt  }
0x75: {  	_ =	shalt  }
0x76: {  	_ =	shalt  }
0x77: {  	_ =	shalt  }
0x78: {  	_ =	shalt  }
0x79: {  	_ =	shalt  }
0x7a: {  	_ =	shalt  }
0x7b: {  	_ =	shalt  }
0x7c: {  	_ =	shalt  }
0x7d: {  	_ =	shalt  }
0x7e: {  	_ =	shalt  }
0x7f: {  	_ =	shalt  }
0x80: {  	_ =	shalt  }
0x81: {  	_ =	shalt  }
0x82: {  	_ =	shalt  }
0x83: {  	_ =	shalt  }
0x84: {  	_ =	shalt  }
0x85: {  	_ =	shalt  }
0x86: {  	_ =	shalt  }
0x87: {  	_ =	shalt  }
.Lfunc_end0:
.L_simem_size_0:
called_computation.1_lowered:
.L_overlay_start_0:
0x88: {  	s2 =	sld [smem:$0x3FD9]  }
0x89: {  	s3 =	sld [smem:$0x3FFE];
	_ =	sdelay $0x1  }
0x8a: {  	s1 =	srdreg.scid  }
0x8b: {  	s0 =	sand.u32 $0x1, s1  }
0x8c: {  	s16 =	sshll.u32 s0, $0xA;
	s2 =	sadd.s32 s3, s2  }
0x8d: {  	s2 =	sadd.s32 s2, s16  }
0x8e: {  	[smem:$0x3FBB] =	sst s2  }
0x8f: {  	_ = 	snop  }
0x90: {  	(tm) =	ssettm $0x1  }
0x91: {  	s17 =	sld [smem:$0x3FFB];
	_ =	sdelay $0x3  }
0x92: {  	_ =	strace s17  }
0x93: {  	s2 =	sld [smem:$0x3FFC];
	_ =	sdelay $0x3  }
0x94: {  	_ =	strace s2  }
0x95: {  	s2 =	sld [smem:$0x3FFD];
	_ =	sdelay $0x3  }
0x96: {  	_ =	strace s2  }
0x97: {  	_ =	strace $0x8FFFFFFF  }
0x98: {  	s18 =	sld [smem:$0x3FDB];
	_ =	sdelay $0x1  }
0x99: {  	s19 =	simm.s32 $_scs_section_size  }
0x9a: {  	s4 =	simm.s32 $_size__tile_overlayer_lowered;
	s5 =	simm.s32 $_tile_overlayer_lowered  }
0x9b: {  	s22 =	simm.s32 $0x1BFF;
	s21 =	sshll.u32 s5, $0x1;
	s2 =	sadd.s32 s19, s18  }
0x9c: {  	s6 =	simm.s32 $0x0;
	s20 =	sshll.u32 s4, $0x1;
	s4 =	sadd.s32 s21, s2  }
0x9d: {  	[timem:s6], [sflag:s22] =	dma.local [hbm:s4], s20  }
0x9e: {  	_ =	swait.ge [sflag:s22], s20  }
0x9f: {  	s3 =	ssub.s32 $0x0, s20;
	[sflag:s22] =	ssyncset.done $0x0  }
0xa0: {  	[sflag:s22] =	ssyncadd.s32 s3;
	_ =	sdelay $0x1  }
0xa1: {  	s23 =	simm.s32 $0x1B8B  }
0xa2: {  	_ =	swait.ge [sflag:s23], $0x1  }
0xa3: {  	[sflag:s23] =	ssyncset.done $0x0  }
0xa4: {  	s25 =	simm.s32 $0x1B8E;
	s24 =	sld [smem:$0x3FFE];
	[sflag:s23] =	ssyncadd.s32 $0xFFFFFFFF  }
0xa5: {  	s26 =	simm.s32 $execute0_lowered;
	[smem:$0x3FD2] =	sst s25  }
0xa6: {  	s4 =	sshll.u32 s26, $0x1;
	_ =	strace $0x80000046;
	[dreg:$0x1] =	wrdreg $0xFFFFFFFF  }
0xa7: {  	s28 =	simm.s32 $_size_execute0_lowered;
	s2 =	sadd.s32 s2, s4;
	[dreg:$0x0] =	wrdreg $0x0  }
0xa8: {  	s4 =	sshll.u32 s28, $0x1;
	[dreg:$0x2] =	wrdreg s2  }
0xa9: {  	[dreg:$0x3] =	wrdreg s4  }
0xaa: {  	[dreg:$0x4] =	wrdreg $0xC0  }
0xab: {  	_ =	task [dreg:s6], $0x5FFFF  }
0xac: {  	[dreg:$0x1] =	wrdreg $0xFFFFFFFF  }
0xad: {  	[dreg:$0x0] =	wrdreg $0x60  }
0xae: {  	[dreg:$0x2] =	wrdreg s24  }
0xaf: {  	[dreg:$0x3] =	wrdreg $0xA  }
0xb0: {  	_ =	task.clear_ibuf [dreg:s6], $0x4FFFF;
	_ =	strace $0x90000046  }
0xb1: {  	s29 =	simm.s32 $0xA;
	_ =	strace $0x80000048  }
0xb2: {  	_ =	swait.ge [sflag:s29], $0x1  }
0xb3: {  	[sflag:s29] =	ssyncadd.s32 $0xFFFFFFFF  }
0xb4: {  	_ =	strace $0x90000048  }
0xb5: {  	_ =	sfence  }
0xb6: {  	s30 =	sld [smem:$0x0];
	_ =	sdelay $0x2  }
0xb7: {  	s31 =	sshll.u32 s1, $0xD;
	s1 =	sshrl.u32 s1, $0x2  }
0xb8: {  	s3 =	sand.u32 $0x4000, s31;
	s1 =	sadd.s32 s1, s30  }
0xb9: {  	s0 =	sor.u32 s3, s0;
	s1 =	sshll.u32 s1, $0x11  }
0xba: {  	s0 =	sor.u32 s1, s0  }
0xbb: {  	s0 =	sadd.s32 $0x8F2B, s0  }
0xbc: {  	[sflag:s0] =	ssyncadd.remote.s32 $0x1  }
0xbd: {  	_ =	sfence.sel $0xFFFF  }
0xbe: {  	[dreg:$0x0] =	wrdreg $0xFFFFFFFF;
	(pc) =	sbr.abs _section_cstart, $3  }
0xbf: {  	[dreg:$0x1] =	wrdreg $0xFFFFFFFF  }
0xc0: {  	_ =	task.clear_ibuf [dreg:s6], $0x2FFFF;
	_ =	strace $0x9FFFFFFF  }
0xc1: {  	(tm) =	ssettm $0x7FFFFFFF  }
tec
execute0_lowered:
.L_overlay_start_1:
0x0: {  	(tag) =	ssettag $0x1  }
0x1: {  	s1 =	srdreg.scid;
	s0 =	stileid.u32  }
0x2: {  	s6 =	rddreg [dreg:$0x0];
	s7 =	simm.s32 $0x1;
	s1 =	sshll.u32 s1, $0x5  }
0x3: {  	s30 =	simm.s32 $0x2;
	s2 =	sshll.u32 s0, $0x6;
	s3 =	sand.u32 $0x20, s1  }
0x4: {  	s31 =	simm.s32 $0x3;
	s11 =	simm.s32 $0x0;
	s2 =	sor.u32 s2, s3  }
0x5: {  	s9 =	simm.s32 $0x0;
	s4 =	sadd.s32 $0x42000, s6;
	s5 =	ssub.s32 $0x800, s2  }
0x6: {  	s1 =	rddreg [dreg:$0x1];
	_ =	strace $0x80000047;
	s8 =	sand.u32 $0x3E0, s5  }
0x7: {  	s3 =	sadd.s32 $0x42200, s6;
	[sflag:s7] =	ssyncpa.u1 $0x0;
	p0 =	sne.s32 s8, $0x0  }
0x8: {  	s6 =	sadd.s32 $0x42400, s6;
	s5 =	sshrl.u32 s5, $0xA;
	s7 =	simm.s32 @!p0 $0x0  }
0x9: {  	[sflag:s30] =	ssyncpa.u1 $0x0;
	s10 =	smov.u32 s2;
	s5 =	sadd.s32 s7, s5  }
0xa: {  	[sflag:s31] =	ssyncpa.u1 $0x0;
	s8 =	simm.s32 $0x0;
	s7 =	sadd.s32 $0x1, s5  }
.LBB2_1:
0xb: {  	p0 =	sge.u32 s9, s5  }
0xc: {  	s31 =	sadd.s32 $0xFFFFFFFF, s9;
	s12 =	sxor.u32 @!p0 $0xFFFFFFFF, s8;
	s13 =	sshrl.u32 @!p0 s10, $0x3  }
0xd: {  	s14 =	sand.u32 @!p0 $0x7, s10;
	s12 =	sand.u32 @!p0 $0x20, s12;
	s13 =	sadd.s32 @!p0 s4, s13  }
0xe: {  	[tilespmem:s12], [sflag:$0x2] =	stream.linear.gather @!p0 [hbm4b:s13+s14], $0x20, $0x38;
	[tilespmem:$0x80] =	vst v63  }
0xf: {  	p0 =	sge.u32 s31, s5  }
0x10: {  	s12 =	simm.s32 @!p0 $0x2  }
0x11: {  	_ =	swait.ge @!p0 [sflag:s12], $0x20  }
0x12: {  	[sflag:s12] =	ssyncset.done @!p0 $0x0  }
0x13: {  	[sflag:s12] =	ssyncadd.s32 @!p0 $0xFFFFFFE0;
	s12 =	sand.u32 @!p0 $0x20, s8  }
0x14: {  	(ifvalue) =	ssetifvalue @!p0 $0x7FFFFFFF;
	v0 =	vld.msk @!p0 [tilespmem:s12+$0x0 ss:$0x1], $0xffff;
	_ =	sdelay $0x4  }
0x15: {  	vm0 =	vgt.s32 @!p0 v0, $0x0  }
0x16: {  	v0 =	vnsel @!p0 vm0, $0x0, v0  }
0x17: {  	v0 =	vmin.u32 @!p0 v0, $0x7FF;
	_ =	sdelay $0x2  }
0x18: {  	s14 =	simm.s32 @!p0 $0x0  }
0x19: {  	s13 =	sor.u32 @!p0 $0x40, s12;
	(ifvalue) =	ssetifvalue @!p0 $0x7FFFFFFF;
	s15 =	sor.u32 @!p0 $0x10, s12;
	vm0 =	vmmov @!p0 $0xffff  }
0x1a: {  	[tilespmem:s13], [sflag:$0x1] =	stream.indirect_vreg.gather @!p0 [hbm4b:s3+s14], $0x1, v0, vm0, $0x4038;
	[tilespmem:$0x80] =	vst v63  }
0x1b: {  	v0 =	vld.msk @!p0 [tilespmem:s15+$0x0 ss:$0x1], $0xffff;
	_ =	sdelay $0x4  }
0x1c: {  	vm1 =	vgt.s32 @!p0 v0, $0x0  }
0x1d: {  	v0 =	vnsel @!p0 vm1, $0x0, v0  }
0x1e: {  	v0 =	vmin.u32 @!p0 v0, $0x7FF;
	_ =	sdelay $0x3  }
0x1f: {  	s12 =	sor.u32 @!p0 $0x50, s12;
	(ifvalue) =	ssetifvalue @!p0 $0x7FFFFFFF  }
0x20: {  	[tilespmem:s12], [sflag:$0x1] =	stream.indirect_vreg.gather @!p0 [hbm4b:s3+s14], $0x1, v0, vm0, $0x4038;
	[tilespmem:$0x80] =	vst v63  }
0x21: {  	s12 =	simm.s32 @!p0 $0x1  }
0x22: {  	_ =	swait.ge @!p0 [sflag:s12], $0x20  }
0x23: {  	s14 =	sshrl.u32 @!p0 s11, $0x3;
	[sflag:s12] =	ssyncset.done @!p0 $0x0  }
0x24: {  	s11 =	sand.u32 @!p0 $0x7, s11;
	[sflag:s12] =	ssyncadd.s32 @!p0 $0xFFFFFFE0;
	s12 =	sadd.s32 @!p0 s6, s14  }
0x25: {  	[hbm4b:s12+s11] =	stream.linear.scatter @!p0 [tilespmem:s13], [sflag:$0x3], $0x20, $0x38;
	[tilespmem:$0x80] =	vst v63  }
0x26: {  	s13 =	sadd.s32 $0x400, s10  }
0x27: {  	p1 =	sgt.s32 s13, $0x7FF  }
0x28: {  	s13 =	smov.u32 @p1 s2;
	p1 =	sne.s32 s9, s7  }
.Ltmp0:
0x29: {  	p0 =	slt.u32 s9, $0x2;
	(pc) =	sbr.rel @p1 .LBB2_1-.Ltmp0, $4  }
0x2a: {  	s12 =	simm.s32 @!p0 $0x3  }
0x2b: {  	_ =	swait.ge @!p0 [sflag:s12], $0x20  }
0x2c: {  	s8 =	sadd.s32 $0x20, s8;
	s11 =	smov.u32 s10;
	[sflag:s12] =	ssyncset.done @!p0 $0x0  }
0x2d: {  	s9 =	sadd.s32 $0x1, s9;
	s10 =	smov.u32 s13;
	[sflag:s12] =	ssyncadd.s32 @!p0 $0xFFFFFFE0  }
0x2e: {  	_ =	sfence.sel $0x180000  }
0x2f: {  	s2 =	simm.s32 $0x2;
	[bflag:$0x0] =	sbarrier.arrive $0xFFFF  }
0x30: {  	s30 =	simm.s32 $0x3;
	[sflag:s2] =	ssyncpa.u1 $0x1  }
0x31: {  	s31 =	simm.s32 $0x1;
	[sflag:s30] =	ssyncpa.u1 $0x1  }
0x32: {  	[sflag:s31] =	ssyncpa.u1 $0x1  }
0x33: {  	p0 =	sne.s32 s0, $0x0;
	_ =	strace $0x90000047  }
0x34: {  	s0 =	sadd.s32 @!p0 $0x100000, s1;
	[bflag:$0x2] =	sbarrier.arrive $0xFFFF  }
0x35: {  	[sflag:s0] =	ssyncadd.tile.s32 @!p0 $0x1;
	_ =	shalt  }
.Lfunc_end2:
_tile_overlayer_lowered:
.L_overlay_start_2:
0x36: {  	(tag) =	ssettag $0x2  }
0x37: {  	s0 =	rddreg [dreg:$0x0];
	s2 =	stileid.u32  }
0x38: {  	s1 =	rddreg [dreg:$0x1];
	p0 =	sne.s32 s2, $0x0  }
0x39: {  	s3 =	rddreg [dreg:$0x2];
	[bflag:$0x3] =	sbarrier.arrive $0xFFFF;
	s2 =	simm.s32 @!p0 $0x1C01  }
0x3a: {  	[timem:s3], [sflag:s2] =	dma.local @!p0 [hbm:s0], s1  }
0x3b: {  	s0 =	simm.s32 @!p0 $0x1  }
0x3c: {  	_ =	swait.ge @!p0 [sflag:s0], s1  }
0x3d: {  	s1 =	ssub.s32 @!p0 $0x0, s1;
	[sflag:s0] =	ssyncset.done @!p0 $0x0  }
0x3e: {  	[sflag:s0] =	ssyncadd.s32 @!p0 s1  }
0x3f: {  	[bflag:$0x3] =	sbarrier.arrive $0xFFFF  }
0x40: {  	_ =	shalt  }

// kernel: gather_offload_async_start
scs
__scs_entry_jumppad:
0x0: {  	(pc) =	sbr.rel $0x88, $3  }
0x1: {  	(tag) =	ssettag $0x0;
	lr =	simm.s32 $0x1  }
0x2: {  	[smem:$0x3F94] =	sst lr;
	_ =	strace $0xD0000000  }
0x3: {  	_ = 	snop  }
0x4: {  	_ = 	snop  }
0x5: {  	_ = 	snop  }
0x6: {  	_ = 	snop  }
0x7: {  	_ = 	snop  }
__scs_overlays_trampoline_lowered:
0x8: {  	[smem:$0x3FA3] =	sst s0  }
0x9: {  	[smem:$0x3FA4] =	sst s1  }
0xa: {  	[smem:$0x3FA5] =	sst s2  }
0xb: {  	[smem:$0x3FA6] =	sst s3  }
0xc: {  	[smem:$0x3FA7] =	sst s4  }
0xd: {  	[smem:$0x3FA8] =	sst s5  }
0xe: {  	[smem:$0x3FA9] =	sst s6  }
0xf: {  	[smem:$0x3FAA] =	sst s7  }
0x10: {  	[smem:$0x3FAB] =	sst s8  }
0x11: {  	[smem:$0x3FAC] =	sst s9;
	s0 =	simm.s32 @!p0 $0x0  }
0x12: {  	s1 =	sld [smem:$0x3F92];
	s0 =	simm.s32 @p0 $0x1  }
0x13: {  	[smem:$0x3FAD] =	sst s0;
	s0 =	simm.s32 @!p1 $0x0  }
0x14: {  	s2 =	sld [smem:$0x3F91];
	s0 =	simm.s32 @p1 $0x1  }
0x15: {  	[smem:$0x3FAE] =	sst s0;
	s0 =	simm.s32 @!p2 $0x0  }
0x16: {  	s3 =	sld [smem:$0x3FDB];
	s0 =	simm.s32 @p2 $0x1  }
0x17: {  	s4 =	simm.s32 $0x1BF5;
	[smem:$0x3FB0] =	sst s0  }
0x18: {  	s0 =	sld [smem:$0x3F93];
	_ =	swait.ge [sflag:s4], $0x0  }
0x19: {  	s7 =	sld [smem:$0x3F94]  }
0x1a: {  	s8 =	sadd.s32 $0xFFFFE003, lr  }
0x1b: {  	s9 =	sadd.s32 $0xFFFFFEF7, lr;
	s5 =	simm.s32 $0xFFFFFFFF;
	p2 =	slt.u32 s8, $0xFFFFF086  }
0x1c: {  	p1 =	slt.u32 s9, $0xF7A;
	s5 =	simm.s32 @!p2 $0x0  }
0x1d: {  	s5 =	simm.s32 @p1 $0x1;
	p0 =	seq.s32 s7, s2  }
0x1e: {  	s7 =	smul.u32 @!p0 $0xF7A, s2;
	p2 =	seq.s32 @!p0 s5, $0x0  }
0x1f: {  	s9 =	smul.u32 $0xF7A, s1;
	s8 =	simm.s32 @!p0 $0x1BF5;
	p2 =	por !p2, p0  }
0x20: {  	[sflag:s8] =	ssyncset.s32 @!p0 $0xFFFFF086;
	s6 =	sadd.s32 @!p0 s3, s7;
	s7 =	simm.s32 @!p0 $0x108  }
0x21: {  	s3 =	sadd.s32 s3, s9;
	s6 =	sadd.s32 @!p0 $0x88, s6;
	s7 =	simm.s32 @p2 $0x1082  }
0x22: {  	[simem:s7], [sflag:s8] =	dma.local @!p0 [hbm:s6], $0xF7A  }
0x23: {  	s9 =	sor.u32 $0xD0000000, s2;
	s6 =	simm.s32 $0x108;
	_ =	swait.ge @!p0 [sflag:s8], $0x0  }
0x24: {  	s3 =	sadd.s32 $0x88, s3;
	s6 =	simm.s32 @!p1 $0x1082;
	[sflag:s4] =	ssyncset.s32 $0xFFFFF086  }
0x25: {  	[simem:s6], [sflag:s4] =	dma.local [hbm:s3], $0xF7A  }
0x26: {  	[smem:$0x3F94] =	sst s1;
	(tag) =	ssettag s2;
	_ =	strace s9  }
0x27: {  	s1 =	sld [smem:$0x3FA4]  }
0x28: {  	s2 =	sld [smem:$0x3FA5]  }
0x29: {  	s4 =	sld [smem:$0x3FA7]  }
0x2a: {  	p0 =	seq.s32 s5, $0x0;
	s5 =	sld [smem:$0x3FA8]  }
0x2b: {  	s6 =	sld [smem:$0x3FA9]  }
0x2c: {  	s7 =	sld [smem:$0x3FAA]  }
0x2d: {  	s3 =	simm.s32 $0x108;
	s8 =	sld [smem:$0x3FAB]  }
0x2e: {  	s3 =	simm.s32 @!p0 $0x1082;
	s9 =	sld [smem:$0x3FAC]  }
0x2f: {  	lr =	sadd.s32 s0, s3;
	s0 =	sld [smem:$0x3FA3]  }
0x30: {  	s3 =	sld [smem:$0x3FA6]  }
0x31: {  	[smem:$0x3FAF] =	sst s10  }
0x32: {  	s10 =	sld [smem:$0x3FAD];
	_ =	sdelay $0x3  }
0x33: {  	p0 =	seq.s32 s10, $0x1;
	s10 =	sld [smem:$0x3FAF];
	_ =	sdelay $0x3  }
0x34: {  	[smem:$0x3FAF] =	sst s10  }
0x35: {  	s10 =	sld [smem:$0x3FAE];
	_ =	sdelay $0x3  }
0x36: {  	p1 =	seq.s32 s10, $0x1;
	s10 =	sld [smem:$0x3FAF];
	_ =	sdelay $0x3  }
0x37: {  	[smem:$0x3FAF] =	sst s10  }
0x38: {  	s10 =	sld [smem:$0x3FB0]  }
0x39: {  	_ = 	snop;
	(pc) =	sbr.ind lr, $3  }
0x3a: {  	_ = 	snop  }
0x3b: {  	_ = 	snop  }
0x3c: {  	p2 =	seq.s32 s10, $0x1;
	s10 =	sld [smem:$0x3FAF]  }
0x3d: {  	_ =	shalt  }
0x3e: {  	_ =	shalt  }
0x3f: {  	_ =	shalt  }
0x40: {  	_ =	shalt  }
0x41: {  	_ =	shalt  }
0x42: {  	_ =	shalt  }
0x43: {  	_ =	shalt  }
0x44: {  	_ =	shalt  }
0x45: {  	_ =	shalt  }
0x46: {  	_ =	shalt  }
0x47: {  	_ =	shalt  }
0x48: {  	_ =	shalt  }
0x49: {  	_ =	shalt  }
0x4a: {  	_ =	shalt  }
0x4b: {  	_ =	shalt  }
0x4c: {  	_ =	shalt  }
0x4d: {  	_ =	shalt  }
0x4e: {  	_ =	shalt  }
0x4f: {  	_ =	shalt  }
0x50: {  	_ =	shalt  }
0x51: {  	_ =	shalt  }
0x52: {  	_ =	shalt  }
0x53: {  	_ =	shalt  }
0x54: {  	_ =	shalt  }
0x55: {  	_ =	shalt  }
0x56: {  	_ =	shalt  }
0x57: {  	_ =	shalt  }
0x58: {  	_ =	shalt  }
0x59: {  	_ =	shalt  }
0x5a: {  	_ =	shalt  }
0x5b: {  	_ =	shalt  }
0x5c: {  	_ =	shalt  }
0x5d: {  	_ =	shalt  }
0x5e: {  	_ =	shalt  }
0x5f: {  	_ =	shalt  }
0x60: {  	_ =	shalt  }
0x61: {  	_ =	shalt  }
0x62: {  	_ =	shalt  }
0x63: {  	_ =	shalt  }
0x64: {  	_ =	shalt  }
0x65: {  	_ =	shalt  }
0x66: {  	_ =	shalt  }
0x67: {  	_ =	shalt  }
0x68: {  	_ =	shalt  }
0x69: {  	_ =	shalt  }
0x6a: {  	_ =	shalt  }
0x6b: {  	_ =	shalt  }
0x6c: {  	_ =	shalt  }
0x6d: {  	_ =	shalt  }
0x6e: {  	_ =	shalt  }
0x6f: {  	_ =	shalt  }
0x70: {  	_ =	shalt  }
0x71: {  	_ =	shalt  }
0x72: {  	_ =	shalt  }
0x73: {  	_ =	shalt  }
0x74: {  	_ =	shalt  }
0x75: {  	_ =	shalt  }
0x76: {  	_ =	shalt  }
0x77: {  	_ =	shalt  }
0x78: {  	_ =	shalt  }
0x79: {  	_ =	shalt  }
0x7a: {  	_ =	shalt  }
0x7b: {  	_ =	shalt  }
0x7c: {  	_ =	shalt  }
0x7d: {  	_ =	shalt  }
0x7e: {  	_ =	shalt  }
0x7f: {  	_ =	shalt  }
0x80: {  	_ =	shalt  }
0x81: {  	_ =	shalt  }
0x82: {  	_ =	shalt  }
0x83: {  	_ =	shalt  }
0x84: {  	_ =	shalt  }
0x85: {  	_ =	shalt  }
0x86: {  	_ =	shalt  }
0x87: {  	_ =	shalt  }
.Lfunc_end0:
.L_simem_size_0:
called_computation_lowered:
.L_overlay_start_0:
0x88: {  	s2 =	sld [smem:$0x3FD9]  }
0x89: {  	s3 =	sld [smem:$0x3FFE];
	_ =	sdelay $0x1  }
0x8a: {  	s1 =	srdreg.scid  }
0x8b: {  	s0 =	sand.u32 $0x1, s1  }
0x8c: {  	s17 =	sshll.u32 s0, $0xA;
	s2 =	sadd.s32 s3, s2  }
0x8d: {  	s2 =	sadd.s32 s2, s17  }
0x8e: {  	[smem:$0x3FBB] =	sst s2  }
0x8f: {  	_ = 	snop  }
0x90: {  	(tm) =	ssettm $0x1  }
0x91: {  	s18 =	sld [smem:$0x3FFB];
	_ =	sdelay $0x3  }
0x92: {  	_ =	strace s18  }
0x93: {  	s2 =	sld [smem:$0x3FFC];
	_ =	sdelay $0x3  }
0x94: {  	_ =	strace s2  }
0x95: {  	s2 =	sld [smem:$0x3FFD];
	_ =	sdelay $0x3  }
0x96: {  	_ =	strace s2  }
0x97: {  	_ =	strace $0x8FFFFFFF  }
0x98: {  	s19 =	sld [smem:$0x3FDB];
	_ =	sdelay $0x1  }
0x99: {  	s20 =	simm.s32 $_scs_section_size  }
0x9a: {  	s4 =	simm.s32 $_size__tile_overlayer_lowered;
	s5 =	simm.s32 $_tile_overlayer_lowered  }
0x9b: {  	s6 =	simm.s32 $0x1BFF;
	s21 =	sshll.u32 s5, $0x1;
	s3 =	sadd.s32 s20, s19  }
0x9c: {  	s22 =	simm.s32 $0x0;
	s4 =	sshll.u32 s4, $0x1;
	s5 =	sadd.s32 s21, s3  }
0x9d: {  	[timem:s22], [sflag:s6] =	dma.local [hbm:s5], s4  }
0x9e: {  	_ =	swait.ge [sflag:s6], s4  }
0x9f: {  	s4 =	ssub.s32 $0x0, s4;
	[sflag:s6] =	ssyncset.done $0x0  }
0xa0: {  	[sflag:s6] =	ssyncadd.s32 s4;
	_ =	sdelay $0x1  }
0xa1: {  	s23 =	simm.s32 $0x1B8B  }
0xa2: {  	_ =	swait.ge [sflag:s23], $0x1  }
0xa3: {  	[sflag:s23] =	ssyncset.done $0x0  }
0xa4: {  	[sflag:s23] =	ssyncadd.s32 $0xFFFFFFFF  }
0xa5: {  	s4 =	sld [smem:$0x0]  }
0xa6: {  	s5 =	sand.u32 $0xFFFFFFFE, s1  }
0xa7: {  	p0 =	sne.s32 s1, s5  }
0xa8: {  	s5 =	sshll.u32 @p0 s5, $0xE  }
0xa9: {  	s5 =	sadd.s32 @p0 $0x11B8D, s5;
	s6 =	sshll.u32 @p0 s4, $0x11  }
0xaa: {  	s5 =	sor.u32 @p0 s6, s5  }
0xab: {  	[sflag:s5] =	ssyncadd.remote.s32 @p0 $0x1;
	_ =	sdelay $0x1  }
0xac: {  	s5 =	simm.s32 @p0 $0x1B8D  }
0xad: {  	_ =	swait.eq @p0 [sflag:s5], $0x1  }
0xae: {  	[sflag:s5] =	ssyncadd.s32 @p0 $0xFFFFFFFF  }
0xaf: {  	s6 =	sshll.u32 @!p0 s1, $0xE  }
0xb0: {  	s6 =	sor.u32 @!p0 $0x4000, s6;
	s5 =	simm.s32 @!p0 $0x1B8D  }
0xb1: {  	s4 =	sshll.u32 @!p0 s4, $0x11;
	s6 =	sadd.s32 @!p0 $0x11B8D, s6;
	_ =	swait.eq @!p0 [sflag:s5], $0x1  }
0xb2: {  	s4 =	sor.u32 @!p0 s4, s6;
	[sflag:s5] =	ssyncadd.s32 @!p0 $0xFFFFFFFF  }
0xb3: {  	s25 =	simm.s32 $0x1B8E;
	s24 =	sld [smem:$0x3FFE];
	[sflag:s4] =	ssyncadd.remote.s32 @!p0 $0x1  }
0xb4: {  	s26 =	simm.s32 $execute0_lowered;
	[smem:$0x3FD2] =	sst s25  }
0xb5: {  	s5 =	sshll.u32 s26, $0x1;
	_ =	strace $0x80000049;
	[dreg:$0x1] =	wrdreg $0xFFFFFFFF  }
0xb6: {  	s28 =	simm.s32 $_size_execute0_lowered;
	s3 =	sadd.s32 s3, s5;
	[dreg:$0x0] =	wrdreg $0x0  }
0xb7: {  	s5 =	sshll.u32 s28, $0x1;
	[dreg:$0x2] =	wrdreg s3  }
0xb8: {  	[dreg:$0x3] =	wrdreg s5  }
0xb9: {  	[dreg:$0x4] =	wrdreg $0xC0  }
0xba: {  	_ =	task [dreg:s22], $0x5FFFF  }
0xbb: {  	[dreg:$0x1] =	wrdreg $0xFFFFFFFF  }
0xbc: {  	[dreg:$0x0] =	wrdreg $0x60  }
0xbd: {  	[dreg:$0x2] =	wrdreg s24  }
0xbe: {  	[dreg:$0x3] =	wrdreg $0x9  }
0xbf: {  	_ =	task.clear_ibuf [dreg:s22], $0x4FFFF;
	_ =	strace $0x90000049  }
0xc0: {  	s29 =	simm.s32 $0x9;
	_ =	strace $0x8000004B  }
0xc1: {  	_ =	swait.ge [sflag:s29], $0x1  }
0xc2: {  	[sflag:s29] =	ssyncadd.s32 $0xFFFFFFFF  }
0xc3: {  	_ =	strace $0x9000004B  }
0xc4: {  	_ =	sfence  }
0xc5: {  	s30 =	sld [smem:$0x0];
	_ =	sdelay $0x2  }
0xc6: {  	s31 =	sshll.u32 s1, $0xD;
	s1 =	sshrl.u32 s1, $0x2  }
0xc7: {  	s4 =	sand.u32 $0x4000, s31;
	s1 =	sadd.s32 s1, s30  }
0xc8: {  	s0 =	sor.u32 s4, s0;
	s1 =	sshll.u32 s1, $0x11  }
0xc9: {  	s0 =	sor.u32 s1, s0  }
0xca: {  	s0 =	sadd.s32 $0x8F2B, s0  }
0xcb: {  	[sflag:s0] =	ssyncadd.remote.s32 $0x1  }
0xcc: {  	_ =	sfence.sel $0xFFFF  }
0xcd: {  	[dreg:$0x0] =	wrdreg $0xFFFFFFFF;
	(pc) =	sbr.abs _section_cstart, $3  }
0xce: {  	[dreg:$0x1] =	wrdreg $0xFFFFFFFF  }
0xcf: {  	_ =	task.clear_ibuf [dreg:s22], $0x2FFFF;
	_ =	strace $0x9FFFFFFF  }
0xd0: {  	(tm) =	ssettm $0x7FFFFFFF  }
0xd1: {  	_ =	shalt  }
tec
execute0_lowered:
.L_overlay_start_1:
0x0: {  	(tag) =	ssettag $0x1  }
0x1: {  	s1 =	srdreg.scid;
	s0 =	stileid.u32  }
0x2: {  	s6 =	rddreg [dreg:$0x0];
	s7 =	simm.s32 $0x1;
	s1 =	sshll.u32 s1, $0x5  }
0x3: {  	s30 =	simm.s32 $0x2;
	s2 =	sshll.u32 s0, $0x6;
	s3 =	sand.u32 $0x20, s1  }
0x4: {  	s31 =	simm.s32 $0x3;
	s11 =	simm.s32 $0x0;
	s2 =	sor.u32 s2, s3  }
0x5: {  	s9 =	simm.s32 $0x0;
	s4 =	sadd.s32 $0x42000, s6;
	s5 =	ssub.s32 $0x800, s2  }
0x6: {  	s1 =	rddreg [dreg:$0x1];
	_ =	strace $0x8000004A;
	s8 =	sand.u32 $0x3E0, s5  }
0x7: {  	s3 =	sadd.s32 $0x41C00, s6;
	[sflag:s7] =	ssyncpa.u1 $0x0;
	p0 =	sne.s32 s8, $0x0  }
0x8: {  	s6 =	sadd.s32 $0x42600, s6;
	s5 =	sshrl.u32 s5, $0xA;
	s7 =	simm.s32 @!p0 $0x0  }
0x9: {  	[sflag:s30] =	ssyncpa.u1 $0x0;
	s10 =	smov.u32 s2;
	s5 =	sadd.s32 s7, s5  }
0xa: {  	[sflag:s31] =	ssyncpa.u1 $0x0;
	s8 =	simm.s32 $0x0;
	s7 =	sadd.s32 $0x1, s5  }
.LBB2_1:
0xb: {  	p0 =	sge.u32 s9, s5  }
0xc: {  	s31 =	sadd.s32 $0xFFFFFFFF, s9;
	s12 =	sxor.u32 @!p0 $0xFFFFFFFF, s8;
	s13 =	sshrl.u32 @!p0 s10, $0x3  }
0xd: {  	s14 =	sand.u32 @!p0 $0x7, s10;
	s12 =	sand.u32 @!p0 $0x20, s12;
	s13 =	sadd.s32 @!p0 s4, s13  }
0xe: {  	[tilespmem:s12], [sflag:$0x2] =	stream.linear.gather @!p0 [hbm4b:s13+s14], $0x20, $0x38;
	[tilespmem:$0x80] =	vst v63  }
0xf: {  	p0 =	sge.u32 s31, s5  }
0x10: {  	s12 =	simm.s32 @!p0 $0x2  }
0x11: {  	_ =	swait.ge @!p0 [sflag:s12], $0x20  }
0x12: {  	[sflag:s12] =	ssyncset.done @!p0 $0x0  }
0x13: {  	[sflag:s12] =	ssyncadd.s32 @!p0 $0xFFFFFFE0;
	s12 =	sand.u32 @!p0 $0x20, s8  }
0x14: {  	(ifvalue) =	ssetifvalue @!p0 $0x7FFFFFFF;
	v0 =	vld.msk @!p0 [tilespmem:s12+$0x0 ss:$0x1], $0xffff;
	_ =	sdelay $0x4  }
0x15: {  	vm0 =	vgt.s32 @!p0 v0, $0x0  }
0x16: {  	v0 =	vnsel @!p0 vm0, $0x0, v0  }
0x17: {  	v0 =	vmin.u32 @!p0 v0, $0x7FF;
	_ =	sdelay $0x2  }
0x18: {  	s14 =	simm.s32 @!p0 $0x0  }
0x19: {  	s13 =	sor.u32 @!p0 $0x40, s12;
	(ifvalue) =	ssetifvalue @!p0 $0x7FFFFFFF;
	s15 =	sor.u32 @!p0 $0x10, s12;
	vm0 =	vmmov @!p0 $0xffff  }
0x1a: {  	[tilespmem:s13], [sflag:$0x1] =	stream.indirect_vreg.gather @!p0 [hbm4b:s3+s14], $0x1, v0, vm0, $0x4038;
	[tilespmem:$0x80] =	vst v63  }
0x1b: {  	v0 =	vld.msk @!p0 [tilespmem:s15+$0x0 ss:$0x1], $0xffff;
	_ =	sdelay $0x4  }
0x1c: {  	vm1 =	vgt.s32 @!p0 v0, $0x0  }
0x1d: {  	v0 =	vnsel @!p0 vm1, $0x0, v0  }
0x1e: {  	v0 =	vmin.u32 @!p0 v0, $0x7FF;
	_ =	sdelay $0x3  }
0x1f: {  	s12 =	sor.u32 @!p0 $0x50, s12;
	(ifvalue) =	ssetifvalue @!p0 $0x7FFFFFFF  }
0x20: {  	[tilespmem:s12], [sflag:$0x1] =	stream.indirect_vreg.gather @!p0 [hbm4b:s3+s14], $0x1, v0, vm0, $0x4038;
	[tilespmem:$0x80] =	vst v63  }
0x21: {  	s12 =	simm.s32 @!p0 $0x1  }
0x22: {  	_ =	swait.ge @!p0 [sflag:s12], $0x20  }
0x23: {  	s14 =	sshrl.u32 @!p0 s11, $0x3;
	[sflag:s12] =	ssyncset.done @!p0 $0x0  }
0x24: {  	s11 =	sand.u32 @!p0 $0x7, s11;
	[sflag:s12] =	ssyncadd.s32 @!p0 $0xFFFFFFE0;
	s12 =	sadd.s32 @!p0 s6, s14  }
0x25: {  	[hbm4b:s12+s11] =	stream.linear.scatter @!p0 [tilespmem:s13], [sflag:$0x3], $0x20, $0x38;
	[tilespmem:$0x80] =	vst v63  }
0x26: {  	s13 =	sadd.s32 $0x400, s10  }
0x27: {  	p1 =	sgt.s32 s13, $0x7FF  }
0x28: {  	s13 =	smov.u32 @p1 s2;
	p1 =	sne.s32 s9, s7  }
.Ltmp0:
0x29: {  	p0 =	slt.u32 s9, $0x2;
	(pc) =	sbr.rel @p1 .LBB2_1-.Ltmp0, $4  }
0x2a: {  	s12 =	simm.s32 @!p0 $0x3  }
0x2b: {  	_ =	swait.ge @!p0 [sflag:s12], $0x20  }
0x2c: {  	s8 =	sadd.s32 $0x20, s8;
	s11 =	smov.u32 s10;
	[sflag:s12] =	ssyncset.done @!p0 $0x0  }
0x2d: {  	s9 =	sadd.s32 $0x1, s9;
	s10 =	smov.u32 s13;
	[sflag:s12] =	ssyncadd.s32 @!p0 $0xFFFFFFE0  }
0x2e: {  	_ =	sfence.sel $0x180000  }
0x2f: {  	s2 =	simm.s32 $0x2;
	[bflag:$0x0] =	sbarrier.arrive $0xFFFF  }
0x30: {  	s30 =	simm.s32 $0x3;
	[sflag:s2] =	ssyncpa.u1 $0x1  }
0x31: {  	s31 =	simm.s32 $0x1;
	[sflag:s30] =	ssyncpa.u1 $0x1  }
0x32: {  	[sflag:s31] =	ssyncpa.u1 $0x1  }
0x33: {  	p0 =	sne.s32 s0, $0x0;
	_ =	strace $0x9000004A  }
0x34: {  	s0 =	sadd.s32 @!p0 $0x100000, s1;
	[bflag:$0x2] =	sbarrier.arrive $0xFFFF  }
0x35: {  	[sflag:s0] =	ssyncadd.tile.s32 @!p0 $0x1;
	_ =	shalt  }
.Lfunc_end2:
_tile_overlayer_lowered:
.L_overlay_start_2:
0x36: {  	(tag) =	ssettag $0x2  }
0x37: {  	s0 =	rddreg [dreg:$0x0];
	s2 =	stileid.u32  }
0x38: {  	s1 =	rddreg [dreg:$0x1];
	p0 =	sne.s32 s2, $0x0  }
0x39: {  	s3 =	rddreg [dreg:$0x2];
	[bflag:$0x3] =	sbarrier.arrive $0xFFFF;
	s2 =	simm.s32 @!p0 $0x1C01  }
0x3a: {  	[timem:s3], [sflag:s2] =	dma.local @!p0 [hbm:s0], s1  }
0x3b: {  	s0 =	simm.s32 @!p0 $0x1  }
0x3c: {  	_ =	swait.ge @!p0 [sflag:s0], s1  }
0x3d: {  	s1 =	ssub.s32 @!p0 $0x0, s1;
	[sflag:s0] =	ssyncset.done @!p0 $0x0  }
0x3e: {  	[sflag:s0] =	ssyncadd.s32 @!p0 s1  }
0x3f: {  	[bflag:$0x3] =	sbarrier.arrive $0xFFFF  }
0x40: {  	_ =	shalt  }

// kernel: kernel.10.cloned.1.call-start
scs
__scs_entry_jumppad:
0x0: {  	(pc) =	sbr.rel $0x88, $3  }
0x1: {  	(tag) =	ssettag $0x0;
	lr =	simm.s32 $0x1  }
0x2: {  	[smem:$0x3F94] =	sst lr;
	_ =	strace $0xD0000000  }
0x3: {  	_ = 	snop  }
0x4: {  	_ = 	snop  }
0x5: {  	_ = 	snop  }
0x6: {  	_ = 	snop  }
0x7: {  	_ = 	snop  }
__scs_overlays_trampoline_lowered:
0x8: {  	[smem:$0x3FA3] =	sst s0  }
0x9: {  	[smem:$0x3FA4] =	sst s1  }
0xa: {  	[smem:$0x3FA5] =	sst s2  }
0xb: {  	[smem:$0x3FA6] =	sst s3  }
0xc: {  	[smem:$0x3FA7] =	sst s4  }
0xd: {  	[smem:$0x3FA8] =	sst s5  }
0xe: {  	[smem:$0x3FA9] =	sst s6  }
0xf: {  	[smem:$0x3FAA] =	sst s7  }
0x10: {  	[smem:$0x3FAB] =	sst s8  }
0x11: {  	[smem:$0x3FAC] =	sst s9;
	s0 =	simm.s32 @!p0 $0x0  }
0x12: {  	s1 =	sld [smem:$0x3F92];
	s0 =	simm.s32 @p0 $0x1  }
0x13: {  	[smem:$0x3FAD] =	sst s0;
	s0 =	simm.s32 @!p1 $0x0  }
0x14: {  	s2 =	sld [smem:$0x3F91];
	s0 =	simm.s32 @p1 $0x1  }
0x15: {  	[smem:$0x3FAE] =	sst s0;
	s0 =	simm.s32 @!p2 $0x0  }
0x16: {  	s3 =	sld [smem:$0x3FDB];
	s0 =	simm.s32 @p2 $0x1  }
0x17: {  	s4 =	simm.s32 $0x1BF5;
	[smem:$0x3FB0] =	sst s0  }
0x18: {  	s0 =	sld [smem:$0x3F93];
	_ =	swait.ge [sflag:s4], $0x0  }
0x19: {  	s7 =	sld [smem:$0x3F94]  }
0x1a: {  	s8 =	sadd.s32 $0xFFFFE003, lr  }
0x1b: {  	s9 =	sadd.s32 $0xFFFFFEF7, lr;
	s5 =	simm.s32 $0xFFFFFFFF;
	p2 =	slt.u32 s8, $0xFFFFF086  }
0x1c: {  	p1 =	slt.u32 s9, $0xF7A;
	s5 =	simm.s32 @!p2 $0x0  }
0x1d: {  	s5 =	simm.s32 @p1 $0x1;
	p0 =	seq.s32 s7, s2  }
0x1e: {  	s7 =	smul.u32 @!p0 $0xF7A, s2;
	p2 =	seq.s32 @!p0 s5, $0x0  }
0x1f: {  	s9 =	smul.u32 $0xF7A, s1;
	s8 =	simm.s32 @!p0 $0x1BF5;
	p2 =	por !p2, p0  }
0x20: {  	[sflag:s8] =	ssyncset.s32 @!p0 $0xFFFFF086;
	s6 =	sadd.s32 @!p0 s3, s7;
	s7 =	simm.s32 @!p0 $0x108  }
0x21: {  	s3 =	sadd.s32 s3, s9;
	s6 =	sadd.s32 @!p0 $0x88, s6;
	s7 =	simm.s32 @p2 $0x1082  }
0x22: {  	[simem:s7], [sflag:s8] =	dma.local @!p0 [hbm:s6], $0xF7A  }
0x23: {  	s9 =	sor.u32 $0xD0000000, s2;
	s6 =	simm.s32 $0x108;
	_ =	swait.ge @!p0 [sflag:s8], $0x0  }
0x24: {  	s3 =	sadd.s32 $0x88, s3;
	s6 =	simm.s32 @!p1 $0x1082;
	[sflag:s4] =	ssyncset.s32 $0xFFFFF086  }
0x25: {  	[simem:s6], [sflag:s4] =	dma.local [hbm:s3], $0xF7A  }
0x26: {  	[smem:$0x3F94] =	sst s1;
	(tag) =	ssettag s2;
	_ =	strace s9  }
0x27: {  	s1 =	sld [smem:$0x3FA4]  }
0x28: {  	s2 =	sld [smem:$0x3FA5]  }
0x29: {  	s4 =	sld [smem:$0x3FA7]  }
0x2a: {  	p0 =	seq.s32 s5, $0x0;
	s5 =	sld [smem:$0x3FA8]  }
0x2b: {  	s6 =	sld [smem:$0x3FA9]  }
0x2c: {  	s7 =	sld [smem:$0x3FAA]  }
0x2d: {  	s3 =	simm.s32 $0x108;
	s8 =	sld [smem:$0x3FAB]  }
0x2e: {  	s3 =	simm.s32 @!p0 $0x1082;
	s9 =	sld [smem:$0x3FAC]  }
0x2f: {  	lr =	sadd.s32 s0, s3;
	s0 =	sld [smem:$0x3FA3]  }
0x30: {  	s3 =	sld [smem:$0x3FA6]  }
0x31: {  	[smem:$0x3FAF] =	sst s10  }
0x32: {  	s10 =	sld [smem:$0x3FAD];
	_ =	sdelay $0x3  }
0x33: {  	p0 =	seq.s32 s10, $0x1;
	s10 =	sld [smem:$0x3FAF];
	_ =	sdelay $0x3  }
0x34: {  	[smem:$0x3FAF] =	sst s10  }
0x35: {  	s10 =	sld [smem:$0x3FAE];
	_ =	sdelay $0x3  }
0x36: {  	p1 =	seq.s32 s10, $0x1;
	s10 =	sld [smem:$0x3FAF];
	_ =	sdelay $0x3  }
0x37: {  	[smem:$0x3FAF] =	sst s10  }
0x38: {  	s10 =	sld [smem:$0x3FB0]  }
0x39: {  	_ = 	snop;
	(pc) =	sbr.ind lr, $3  }
0x3a: {  	_ = 	snop  }
0x3b: {  	_ = 	snop  }
0x3c: {  	p2 =	seq.s32 s10, $0x1;
	s10 =	sld [smem:$0x3FAF]  }
0x3d: {  	_ =	shalt  }
0x3e: {  	_ =	shalt  }
0x3f: {  	_ =	shalt  }
0x40: {  	_ =	shalt  }
0x41: {  	_ =	shalt  }
0x42: {  	_ =	shalt  }
0x43: {  	_ =	shalt  }
0x44: {  	_ =	shalt  }
0x45: {  	_ =	shalt  }
0x46: {  	_ =	shalt  }
0x47: {  	_ =	shalt  }
0x48: {  	_ =	shalt  }
0x49: {  	_ =	shalt  }
0x4a: {  	_ =	shalt  }
0x4b: {  	_ =	shalt  }
0x4c: {  	_ =	shalt  }
0x4d: {  	_ =	shalt  }
0x4e: {  	_ =	shalt  }
0x4f: {  	_ =	shalt  }
0x50: {  	_ =	shalt  }
0x51: {  	_ =	shalt  }
0x52: {  	_ =	shalt  }
0x53: {  	_ =	shalt  }
0x54: {  	_ =	shalt  }
0x55: {  	_ =	shalt  }
0x56: {  	_ =	shalt  }
0x57: {  	_ =	shalt  }
0x58: {  	_ =	shalt  }
0x59: {  	_ =	shalt  }
0x5a: {  	_ =	shalt  }
0x5b: {  	_ =	shalt  }
0x5c: {  	_ =	shalt  }
0x5d: {  	_ =	shalt  }
0x5e: {  	_ =	shalt  }
0x5f: {  	_ =	shalt  }
0x60: {  	_ =	shalt  }
0x61: {  	_ =	shalt  }
0x62: {  	_ =	shalt  }
0x63: {  	_ =	shalt  }
0x64: {  	_ =	shalt  }
0x65: {  	_ =	shalt  }
0x66: {  	_ =	shalt  }
0x67: {  	_ =	shalt  }
0x68: {  	_ =	shalt  }
0x69: {  	_ =	shalt  }
0x6a: {  	_ =	shalt  }
0x6b: {  	_ =	shalt  }
0x6c: {  	_ =	shalt  }
0x6d: {  	_ =	shalt  }
0x6e: {  	_ =	shalt  }
0x6f: {  	_ =	shalt  }
0x70: {  	_ =	shalt  }
0x71: {  	_ =	shalt  }
0x72: {  	_ =	shalt  }
0x73: {  	_ =	shalt  }
0x74: {  	_ =	shalt  }
0x75: {  	_ =	shalt  }
0x76: {  	_ =	shalt  }
0x77: {  	_ =	shalt  }
0x78: {  	_ =	shalt  }
0x79: {  	_ =	shalt  }
0x7a: {  	_ =	shalt  }
0x7b: {  	_ =	shalt  }
0x7c: {  	_ =	shalt  }
0x7d: {  	_ =	shalt  }
0x7e: {  	_ =	shalt  }
0x7f: {  	_ =	shalt  }
0x80: {  	_ =	shalt  }
0x81: {  	_ =	shalt  }
0x82: {  	_ =	shalt  }
0x83: {  	_ =	shalt  }
0x84: {  	_ =	shalt  }
0x85: {  	_ =	shalt  }
0x86: {  	_ =	shalt  }
0x87: {  	_ =	shalt  }
.Lfunc_end0:
.L_simem_size_0:
called_computation.3_lowered:
.L_overlay_start_0:
0x88: {  	s2 =	sld [smem:$0x3FD9]  }
0x89: {  	s3 =	sld [smem:$0x3FFE];
	_ =	sdelay $0x1  }
0x8a: {  	s1 =	srdreg.scid  }
0x8b: {  	s0 =	sand.u32 $0x1, s1  }
0x8c: {  	s17 =	sshll.u32 s0, $0xA;
	s2 =	sadd.s32 s3, s2  }
0x8d: {  	s2 =	sadd.s32 s2, s17  }
0x8e: {  	[smem:$0x3FBB] =	sst s2  }
0x8f: {  	_ = 	snop  }
0x90: {  	s2 =	sld [smem:$0x3FD0];
	(tm) =	ssettm $0x1  }
0x91: {  	s18 =	sld [smem:$0x3FFB];
	_ =	sdelay $0x3  }
0x92: {  	_ =	strace s18  }
0x93: {  	s3 =	sld [smem:$0x3FFC];
	_ =	sdelay $0x3  }
0x94: {  	_ =	strace s3  }
0x95: {  	s3 =	sld [smem:$0x3FFD];
	_ =	sdelay $0x3  }
0x96: {  	_ =	strace s3  }
0x97: {  	_ =	strace $0x8FFFFFFF  }
0x98: {  	s19 =	sld [smem:$0x3FDB];
	_ =	sdelay $0x1  }
0x99: {  	s4 =	simm.s32 $_scs_section_size  }
0x9a: {  	s5 =	simm.s32 $_size__tile_overlayer_lowered;
	s6 =	simm.s32 $_tile_overlayer_lowered  }
0x9b: {  	s22 =	simm.s32 $0x1BFF;
	s21 =	sshll.u32 s6, $0x1;
	s3 =	sadd.s32 s4, s19  }
0x9c: {  	s7 =	simm.s32 $0x0;
	s20 =	sshll.u32 s5, $0x1;
	s5 =	sadd.s32 s21, s3  }
0x9d: {  	[timem:s7], [sflag:s22] =	dma.local [hbm:s5], s20  }
0x9e: {  	_ =	swait.ge [sflag:s22], s20  }
0x9f: {  	s4 =	ssub.s32 $0x0, s20;
	[sflag:s22] =	ssyncset.done $0x0  }
0xa0: {  	[sflag:s22] =	ssyncadd.s32 s4;
	_ =	sdelay $0x1  }
0xa1: {  	s23 =	simm.s32 $0x1B8B  }
0xa2: {  	_ =	swait.ge [sflag:s23], $0x1  }
0xa3: {  	[sflag:s23] =	ssyncset.done $0x0  }
0xa4: {  	s25 =	simm.s32 $0x1B8E;
	s24 =	sld [smem:$0x3FFE];
	[sflag:s23] =	ssyncadd.s32 $0xFFFFFFFF  }
0xa5: {  	s26 =	simm.s32 $execute0_lowered;
	[smem:$0x3FD2] =	sst s25  }
0xa6: {  	s5 =	sshll.u32 s26, $0x1;
	_ =	strace $0x8000004F;
	[dreg:$0x1] =	wrdreg $0xFFFFFFFF  }
0xa7: {  	s28 =	simm.s32 $_size_execute0_lowered;
	s3 =	sadd.s32 s3, s5;
	[dreg:$0x0] =	wrdreg $0x0  }
0xa8: {  	s5 =	sshll.u32 s28, $0x1;
	[dreg:$0x2] =	wrdreg s3  }
0xa9: {  	[dreg:$0x3] =	wrdreg s5  }
0xaa: {  	[dreg:$0x4] =	wrdreg $0xC0  }
0xab: {  	_ =	task [dreg:s7], $0x5FFFF  }
0xac: {  	[dreg:$0x1] =	wrdreg $0xFFFFFFFF  }
0xad: {  	[dreg:$0x0] =	wrdreg $0x60  }
0xae: {  	[dreg:$0x2] =	wrdreg s2  }
0xaf: {  	[dreg:$0x3] =	wrdreg s24  }
0xb0: {  	[dreg:$0x4] =	wrdreg $0x9  }
0xb1: {  	_ =	task.clear_ibuf [dreg:s7], $0x5FFFF;
	_ =	strace $0x9000004F  }
0xb2: {  	s29 =	simm.s32 $0x9;
	_ =	strace $0x80000051  }
0xb3: {  	_ =	swait.ge [sflag:s29], $0x1  }
0xb4: {  	[sflag:s29] =	ssyncadd.s32 $0xFFFFFFFF  }
0xb5: {  	_ =	strace $0x90000051  }
0xb6: {  	_ =	sfence  }
0xb7: {  	s30 =	sld [smem:$0x0];
	_ =	sdelay $0x2  }
0xb8: {  	s31 =	sshll.u32 s1, $0xD;
	s1 =	sshrl.u32 s1, $0x2  }
0xb9: {  	s3 =	sand.u32 $0x4000, s31;
	s1 =	sadd.s32 s1, s30  }
0xba: {  	s0 =	sor.u32 s3, s0;
	s1 =	sshll.u32 s1, $0x11  }
0xbb: {  	s0 =	sor.u32 s1, s0  }
0xbc: {  	s0 =	sadd.s32 $0x8F2B, s0  }
0xbd: {  	[sflag:s0] =	ssyncadd.remote.s32 $0x1  }
0xbe: {  	_ =	sfence.sel $0xFFFF  }
0xbf: {  	[dreg:$0x0] =	wrdreg $0xFFFFFFFF;
	(pc) =	sbr.abs _section_cstart, $3  }
0xc0: {  	[dreg:$0x1] =	wrdreg $0xFFFFFFFF  }
0xc1: {  	_ =	task.clear_ibuf [dreg:s7], $0x2FFFF;
	_ =	strace $0x9FFFFFFF  }
0xc2: {  	(tm) =	ssettm $0x7FFFFFFF  }
0xc3: {  	_ =	shalt  }
tec
execute0_lowered:
.L_overlay_start_1:
0x0: {  	(tag) =	ssettag $0x1  }
0x1: {  	s1 =	srdreg.scid  }
0x2: {  	s0 =	stileid.u32;
	s2 =	rddreg [dreg:$0x0]  }
0x3: {  	s5 =	rddreg [dreg:$0x1];
	s18 =	simm.s32 $0x880;
	s19 =	simm.s32 $0x1080  }
0x4: {  	s20 =	simm.s32 $0x1880;
	s22 =	simm.s32 $0x2080;
	s23 =	simm.s32 $0x2880  }
0x5: {  	s24 =	simm.s32 $0x3080;
	s7 =	simm.s32 $0x3880;
	s8 =	simm.s32 $0x4080  }
0x6: {  	s25 =	simm.s32 $0x4880;
	s26 =	simm.s32 $0x5080;
	s1 =	sand.u32 $0x1, s1  }
0x7: {  	s9 =	simm.s32 $0x80;
	s3 =	sshll.u32 s0, $0x7;
	s4 =	sshll.u32 s1, $0x6  }
0x8: {  	s11 =	simm.s32 $0x6080;
	s4 =	sor.u32 s4, s3;
	s3 =	simm.s32 $0x0  }
0x9: {  	s12 =	simm.s32 $0x6880;
	s13 =	simm.s32 $0x7080;
	[smem:$0x7FF] =	sst s3  }
0xa: {  	s14 =	simm.s32 $0x7880;
	_ =	strace $0x80000050;
	[dreg:$0x5] =	wrdreg s18  }
0xb: {  	s15 =	simm.s32 $0x8080;
	s16 =	simm.s32 $0x8880;
	[dreg:$0x6] =	wrdreg s19  }
0xc: {  	s28 =	simm.s32 $0xE080;
	s29 =	simm.s32 $0xE880;
	[dreg:$0x7] =	wrdreg s20  }
0xd: {  	s30 =	simm.s32 $0xF080;
	s1 =	ssub.s32 $0x2, s1;
	[dreg:$0x8] =	wrdreg s22  }
0xe: {  	s31 =	simm.s32 $0xF880;
	s21 =	sshrl.u32 s1, $0x1;
	[dreg:$0x9] =	wrdreg s23  }
0xf: {  	s6 =	sshrl.u32 s4, $0x3;
	s4 =	sshll.u32 s4, $0x7;
	[dreg:$0xa] =	wrdreg s24  }
0x10: {  	s1 =	ssub.s32 s1, s21;
	s21 =	simm.s32 $0xB080;
	[dreg:$0xb] =	wrdreg s7  }
0x11: {  	s6 =	sadd.s32 s6, s5;
	s4 =	sadd.s32 s4, s5;
	[dreg:$0xc] =	wrdreg s8  }
0x12: {  	s5 =	sadd.s32 $0x200, s2;
	s7 =	smax.u32 s1, $0x1;
	[dreg:$0xd] =	wrdreg s25  }
0x13: {  	s8 =	simm.s32 $0x2;
	[dreg:$0xe] =	wrdreg s26;
	s18 =	simm.s32 $0x9880  }
0x14: {  	s19 =	simm.s32 $0xA080;
	s20 =	simm.s32 $0xA880;
	s22 =	simm.s32 $0xB880  }
0x15: {  	s23 =	simm.s32 $0xC080;
	s24 =	simm.s32 $0xC880;
	s25 =	simm.s32 $0xD080  }
0x16: {  	v2 =	vlaneseq.u32;
	s26 =	simm.s32 $0xD880;
	s1 =	simm.s32 $0x1;
	s17 =	sadd.s32 $0x42C00, s6  }
0x17: {  	vm0 =	vmmov $0xffff;
	v1 =	vshrl.u32 v2, $0x3;
	s4 =	sadd.s32 $0x1C00, s4;
	s6 =	sadd.s32 $0x300, s2;
	[dreg:$0x3] =	wrdreg s17  }
0x18: {  	v0 =	vand.u32 $0x7, v2;
	v2 =	vor.u32 $0x8, v2;
	v1 =	vmul.u32 $0x8, v1;
	[dreg:$0x4] =	wrdreg s4;
	s4 =	sadd.s32 $0x100, s2;
	s17 =	simm.s32 $0x9080  }
.LBB2_1:
0x19: {  	s0 =	rddreg [dreg:$0x3]  }
0x1a: {  	[tilespmem:s3], [sflag:$0x2] =	stream.linear.gather [hbm4b:s0+s3], $0x40, $0x38;
	[tilespmem:$0x10080] =	vst v63  }
0x1b: {  	_ =	swait.ge [sflag:s8], $0x40  }
0x1c: {  	[sflag:s8] =	ssyncset.done $0x0  }
0x1d: {  	[sflag:s8] =	ssyncadd.s32 $0xFFFFFFC0  }
0x1e: {  	v3 =	vld [tilespmem:$0x0];
	_ =	sdelay $0x4  }
0x1f: {  	v4 =	vshll.u32 v3, $0x3  }
0x20: {  	v3 =	vand.u32 $0x7, v3;
	v4 =	vand.u32 $0xFFFFFFC0, v4  }
0x21: {  	v3 =	vor.u32 v3, v4  }
0x22: {  	v4 =	vperm.xlane v3, v0;
	_ =	sdelay $0x1  }
0x23: {  	v4 =	vadd.s32 v1, v4;
	_ =	sdelay $0x4  }
0x24: {  	[tilespmem:s9], [sflag:$0x1] =	stream.indirect_vreg.gather [hbm4b:s2+s3], $0x80, v4, vm0, $0xb8;
	[tilespmem:$0x10080] =	vst v63  }
0x25: {  	s0 =	rddreg [dreg:$0x5];
	v3 =	vperm.xlane v3, v2  }
0x26: {  	[tilespmem:s0], [sflag:$0x1] =	stream.indirect_vreg.gather [hbm4b:s4+s3], $0x80, v4, vm0, $0xb8;
	[tilespmem:$0x10080] =	vst v63  }
0x27: {  	s10 =	rddreg [dreg:$0x6];
	v3 =	vadd.s32 v1, v3  }
0x28: {  	[tilespmem:s10], [sflag:$0x1] =	stream.indirect_vreg.gather [hbm4b:s5+s3], $0x80, v4, vm0, $0xb8;
	[tilespmem:$0x10080] =	vst v63  }
0x29: {  	s0 =	rddreg [dreg:$0x7]  }
0x2a: {  	[tilespmem:s0], [sflag:$0x1] =	stream.indirect_vreg.gather [hbm4b:s6+s3], $0x80, v4, vm0, $0xb8;
	[tilespmem:$0x10080] =	vst v63  }
0x2b: {  	s10 =	rddreg [dreg:$0x8]  }
0x2c: {  	[tilespmem:s10], [sflag:$0x1] =	stream.indirect_vreg.gather [hbm4b:s2+s3], $0x80, v3, vm0, $0xb8;
	[tilespmem:$0x10080] =	vst v63  }
0x2d: {  	s0 =	rddreg [dreg:$0x9]  }
0x2e: {  	[tilespmem:s0], [sflag:$0x1] =	stream.indirect_vreg.gather [hbm4b:s4+s3], $0x80, v3, vm0, $0xb8;
	[tilespmem:$0x10080] =	vst v63  }
0x2f: {  	s10 =	rddreg [dreg:$0xa]  }
0x30: {  	[tilespmem:s10], [sflag:$0x1] =	stream.indirect_vreg.gather [hbm4b:s5+s3], $0x80, v3, vm0, $0xb8;
	[tilespmem:$0x10080] =	vst v63  }
0x31: {  	s0 =	rddreg [dreg:$0xb]  }
0x32: {  	[tilespmem:s0], [sflag:$0x1] =	stream.indirect_vreg.gather [hbm4b:s6+s3], $0x80, v3, vm0, $0xb8;
	[tilespmem:$0x10080] =	vst v63  }
0x33: {  	v3 =	vld [tilespmem:$0x10];
	_ =	sdelay $0x4  }
0x34: {  	v61 =	vshll.u32 v3, $0x3  }
0x35: {  	v3 =	vand.u32 $0x7, v3;
	v4 =	vand.u32 $0xFFFFFFC0, v61  }
0x36: {  	v3 =	vor.u32 v3, v4  }
0x37: {  	v4 =	vperm.xlane v3, v0;
	_ =	sdelay $0x1  }
0x38: {  	v4 =	vadd.s32 v1, v4;
	_ =	sdelay $0x3  }
0x39: {  	s0 =	rddreg [dreg:$0xc]  }
0x3a: {  	[tilespmem:s0], [sflag:$0x1] =	stream.indirect_vreg.gather [hbm4b:s2+s3], $0x80, v4, vm0, $0xb8;
	[tilespmem:$0x10080] =	vst v63  }
0x3b: {  	s10 =	rddreg [dreg:$0xd];
	v3 =	vperm.xlane v3, v2  }
0x3c: {  	[tilespmem:s10], [sflag:$0x1] =	stream.indirect_vreg.gather [hbm4b:s4+s3], $0x80, v4, vm0, $0xb8;
	[tilespmem:$0x10080] =	vst v63  }
0x3d: {  	v3 =	vadd.s32 v1, v3;
	s0 =	rddreg [dreg:$0xe]  }
0x3e: {  	[tilespmem:s0], [sflag:$0x1] =	stream.indirect_vreg.gather [hbm4b:s5+s3], $0x80, v4, vm0, $0xb8;
	[tilespmem:$0x10080] =	vst v63  }
0x3f: {  	s10 =	simm.s32 $0x5880  }
0x40: {  	[tilespmem:s10], [sflag:$0x1] =	stream.indirect_vreg.gather [hbm4b:s6+s3], $0x80, v4, vm0, $0xb8;
	[tilespmem:$0x10080] =	vst v63  }
0x41: {  	_ = 	snop  }
0x42: {  	[tilespmem:s11], [sflag:$0x1] =	stream.indirect_vreg.gather [hbm4b:s2+s3], $0x80, v3, vm0, $0xb8;
	[tilespmem:$0x10080] =	vst v63  }
0x43: {  	_ = 	snop  }
0x44: {  	[tilespmem:s12], [sflag:$0x1] =	stream.indirect_vreg.gather [hbm4b:s4+s3], $0x80, v3, vm0, $0xb8;
	[tilespmem:$0x10080] =	vst v63  }
0x45: {  	_ = 	snop  }
0x46: {  	[tilespmem:s13], [sflag:$0x1] =	stream.indirect_vreg.gather [hbm4b:s5+s3], $0x80, v3, vm0, $0xb8;
	[tilespmem:$0x10080] =	vst v63  }
0x47: {  	_ = 	snop  }
0x48: {  	[tilespmem:s14], [sflag:$0x1] =	stream.indirect_vreg.gather [hbm4b:s6+s3], $0x80, v3, vm0, $0xb8;
	[tilespmem:$0x10080] =	vst v63  }
0x49: {  	v3 =	vld [tilespmem:$0x20];
	_ =	sdelay $0x4  }
0x4a: {  	v62 =	vshll.u32 v3, $0x3  }
0x4b: {  	v3 =	vand.u32 $0x7, v3;
	v4 =	vand.u32 $0xFFFFFFC0, v62  }
0x4c: {  	v3 =	vor.u32 v3, v4  }
0x4d: {  	v4 =	vperm.xlane v3, v0;
	_ =	sdelay $0x1  }
0x4e: {  	v4 =	vadd.s32 v1, v4;
	_ =	sdelay $0x4  }
0x4f: {  	[tilespmem:s15], [sflag:$0x1] =	stream.indirect_vreg.gather [hbm4b:s2+s3], $0x80, v4, vm0, $0xb8;
	[tilespmem:$0x10080] =	vst v63  }
0x50: {  	v3 =	vperm.xlane v3, v2  }
0x51: {  	[tilespmem:s16], [sflag:$0x1] =	stream.indirect_vreg.gather [hbm4b:s4+s3], $0x80, v4, vm0, $0xb8;
	[tilespmem:$0x10080] =	vst v63  }
0x52: {  	v3 =	vadd.s32 v1, v3  }
0x53: {  	[tilespmem:s17], [sflag:$0x1] =	stream.indirect_vreg.gather [hbm4b:s5+s3], $0x80, v4, vm0, $0xb8;
	[tilespmem:$0x10080] =	vst v63  }
0x54: {  	_ = 	snop  }
0x55: {  	[tilespmem:s18], [sflag:$0x1] =	stream.indirect_vreg.gather [hbm4b:s6+s3], $0x80, v4, vm0, $0xb8;
	[tilespmem:$0x10080] =	vst v63  }
0x56: {  	_ = 	snop  }
0x57: {  	[tilespmem:s19], [sflag:$0x1] =	stream.indirect_vreg.gather [hbm4b:s2+s3], $0x80, v3, vm0, $0xb8;
	[tilespmem:$0x10080] =	vst v63  }
0x58: {  	_ = 	snop  }
0x59: {  	[tilespmem:s20], [sflag:$0x1] =	stream.indirect_vreg.gather [hbm4b:s4+s3], $0x80, v3, vm0, $0xb8;
	[tilespmem:$0x10080] =	vst v63  }
0x5a: {  	_ = 	snop  }
0x5b: {  	[tilespmem:s21], [sflag:$0x1] =	stream.indirect_vreg.gather [hbm4b:s5+s3], $0x80, v3, vm0, $0xb8;
	[tilespmem:$0x10080] =	vst v63  }
0x5c: {  	_ = 	snop  }
0x5d: {  	[tilespmem:s22], [sflag:$0x1] =	stream.indirect_vreg.gather [hbm4b:s6+s3], $0x80, v3, vm0, $0xb8;
	[tilespmem:$0x10080] =	vst v63  }
0x5e: {  	v3 =	vld [tilespmem:$0x30];
	_ =	sdelay $0x4  }
0x5f: {  	v63 =	vshll.u32 v3, $0x3  }
0x60: {  	v3 =	vand.u32 $0x7, v3;
	v4 =	vand.u32 $0xFFFFFFC0, v63  }
0x61: {  	v3 =	vor.u32 v3, v4  }
0x62: {  	v4 =	vperm.xlane v3, v0;
	_ =	sdelay $0x1  }
0x63: {  	v4 =	vadd.s32 v1, v4;
	_ =	sdelay $0x4  }
0x64: {  	[tilespmem:s23], [sflag:$0x1] =	stream.indirect_vreg.gather [hbm4b:s2+s3], $0x80, v4, vm0, $0xb8;
	[tilespmem:$0x10080] =	vst v63  }
0x65: {  	v3 =	vperm.xlane v3, v2  }
0x66: {  	[tilespmem:s24], [sflag:$0x1] =	stream.indirect_vreg.gather [hbm4b:s4+s3], $0x80, v4, vm0, $0xb8;
	[tilespmem:$0x10080] =	vst v63  }
0x67: {  	v3 =	vadd.s32 v1, v3  }
0x68: {  	[tilespmem:s25], [sflag:$0x1] =	stream.indirect_vreg.gather [hbm4b:s5+s3], $0x80, v4, vm0, $0xb8;
	[tilespmem:$0x10080] =	vst v63  }
0x69: {  	_ = 	snop  }
0x6a: {  	[tilespmem:s26], [sflag:$0x1] =	stream.indirect_vreg.gather [hbm4b:s6+s3], $0x80, v4, vm0, $0xb8;
	[tilespmem:$0x10080] =	vst v63  }
0x6b: {  	_ = 	snop  }
0x6c: {  	[tilespmem:s28], [sflag:$0x1] =	stream.indirect_vreg.gather [hbm4b:s2+s3], $0x80, v3, vm0, $0xb8;
	[tilespmem:$0x10080] =	vst v63  }
0x6d: {  	_ = 	snop  }
0x6e: {  	[tilespmem:s29], [sflag:$0x1] =	stream.indirect_vreg.gather [hbm4b:s4+s3], $0x80, v3, vm0, $0xb8;
	[tilespmem:$0x10080] =	vst v63  }
0x6f: {  	_ = 	snop  }
0x70: {  	[tilespmem:s30], [sflag:$0x1] =	stream.indirect_vreg.gather [hbm4b:s5+s3], $0x80, v3, vm0, $0xb8;
	[tilespmem:$0x10080] =	vst v63  }
0x71: {  	_ = 	snop  }
0x72: {  	[tilespmem:s31], [sflag:$0x1] =	stream.indirect_vreg.gather [hbm4b:s6+s3], $0x80, v3, vm0, $0xb8;
	[tilespmem:$0x10080] =	vst v63  }
0x73: {  	_ =	swait.ge [sflag:s1], $0x10000  }
0x74: {  	p0 =	sne.s32 s7, $0x1;
	[sflag:s1] =	ssyncset.done $0x0  }
.Ltmp0:
0x75: {  	s10 =	rddreg [dreg:$0x4];
	[sflag:s1] =	ssyncadd.s32 $0xFFFF0000;
	(pc) =	sbr.rel @p0 .LBB2_1-.Ltmp0, $4  }
0x76: {  	[hbm4b:s10+s3] =	stream.linear.scatter [tilespmem:s9], [sflag:$0x2], $0x10000, $0x38;
	[tilespmem:$0x10080] =	vst v63  }
0x77: {  	_ =	swait.ge [sflag:s8], $0x10000  }
0x78: {  	[sflag:s8] =	ssyncset.done $0x0  }
0x79: {  	s7 =	sadd.s32 $0xFFFFFFFF, s7;
	[sflag:s8] =	ssyncadd.s32 $0xFFFF0000  }
0x7a: {  	_ =	sfence.sel $0x180000  }
0x7b: {  	[bflag:$0x0] =	sbarrier.arrive $0xFFFF  }
0x7c: {  	_ =	strace $0x90000050  }
0x7d: {  	s0 =	stileid.u32;
	[bflag:$0x2] =	sbarrier.arrive $0xFFFF  }
0x7e: {  	p0 =	sne.s32 s0, $0x0;
	s0 =	rddreg [dreg:$0x2]  }
0x7f: {  	s0 =	sadd.s32 @!p0 $0x100000, s0  }
0x80: {  	[sflag:s0] =	ssyncadd.tile.s32 @!p0 $0x1;
	_ =	shalt  }
.Lfunc_end2:
_tile_overlayer_lowered:
.L_overlay_start_2:
0x81: {  	(tag) =	ssettag $0x2  }
0x82: {  	s0 =	rddreg [dreg:$0x0];
	s2 =	stileid.u32  }
0x83: {  	s1 =	rddreg [dreg:$0x1];
	p0 =	sne.s32 s2, $0x0  }
0x84: {  	s3 =	rddreg [dreg:$0x2];
	[bflag:$0x3] =	sbarrier.arrive $0xFFFF;
	s2 =	simm.s32 @!p0 $0x1C02  }
0x85: {  	[timem:s3], [sflag:s2] =	dma.local @!p0 [hbm:s0], s1  }
0x86: {  	s0 =	simm.s32 @!p0 $0x2  }
0x87: {  	_ =	swait.ge @!p0 [sflag:s0], s1  }
0x88: {  	s1 =	ssub.s32 @!p0 $0x0, s1;
	[sflag:s0] =	ssyncset.done @!p0 $0x0  }
0x89: {  	[sflag:s0] =	ssyncadd.s32 @!p0 s1  }
0x8a: {  	[bflag:$0x3] =	sbarrier.arrive $0xFFFF  }
0x8b: {  	_ =	shalt  }

// kernel: kernel.7.cloned.1.call-start
scs
__scs_entry_jumppad:
0x0: {  	(pc) =	sbr.rel $0x88, $3  }
0x1: {  	(tag) =	ssettag $0x0;
	lr =	simm.s32 $0x1  }
0x2: {  	[smem:$0x3F94] =	sst lr;
	_ =	strace $0xD0000000  }
0x3: {  	_ = 	snop  }
0x4: {  	_ = 	snop  }
0x5: {  	_ = 	snop  }
0x6: {  	_ = 	snop  }
0x7: {  	_ = 	snop  }
__scs_overlays_trampoline_lowered:
0x8: {  	[smem:$0x3FA3] =	sst s0  }
0x9: {  	[smem:$0x3FA4] =	sst s1  }
0xa: {  	[smem:$0x3FA5] =	sst s2  }
0xb: {  	[smem:$0x3FA6] =	sst s3  }
0xc: {  	[smem:$0x3FA7] =	sst s4  }
0xd: {  	[smem:$0x3FA8] =	sst s5  }
0xe: {  	[smem:$0x3FA9] =	sst s6  }
0xf: {  	[smem:$0x3FAA] =	sst s7  }
0x10: {  	[smem:$0x3FAB] =	sst s8  }
0x11: {  	[smem:$0x3FAC] =	sst s9;
	s0 =	simm.s32 @!p0 $0x0  }
0x12: {  	s1 =	sld [smem:$0x3F92];
	s0 =	simm.s32 @p0 $0x1  }
0x13: {  	[smem:$0x3FAD] =	sst s0;
	s0 =	simm.s32 @!p1 $0x0  }
0x14: {  	s2 =	sld [smem:$0x3F91];
	s0 =	simm.s32 @p1 $0x1  }
0x15: {  	[smem:$0x3FAE] =	sst s0;
	s0 =	simm.s32 @!p2 $0x0  }
0x16: {  	s3 =	sld [smem:$0x3FDB];
	s0 =	simm.s32 @p2 $0x1  }
0x17: {  	s4 =	simm.s32 $0x1BF5;
	[smem:$0x3FB0] =	sst s0  }
0x18: {  	s0 =	sld [smem:$0x3F93];
	_ =	swait.ge [sflag:s4], $0x0  }
0x19: {  	s7 =	sld [smem:$0x3F94]  }
0x1a: {  	s8 =	sadd.s32 $0xFFFFE003, lr  }
0x1b: {  	s9 =	sadd.s32 $0xFFFFFEF7, lr;
	s5 =	simm.s32 $0xFFFFFFFF;
	p2 =	slt.u32 s8, $0xFFFFF086  }
0x1c: {  	p1 =	slt.u32 s9, $0xF7A;
	s5 =	simm.s32 @!p2 $0x0  }
0x1d: {  	s5 =	simm.s32 @p1 $0x1;
	p0 =	seq.s32 s7, s2  }
0x1e: {  	s7 =	smul.u32 @!p0 $0xF7A, s2;
	p2 =	seq.s32 @!p0 s5, $0x0  }
0x1f: {  	s9 =	smul.u32 $0xF7A, s1;
	s8 =	simm.s32 @!p0 $0x1BF5;
	p2 =	por !p2, p0  }
0x20: {  	[sflag:s8] =	ssyncset.s32 @!p0 $0xFFFFF086;
	s6 =	sadd.s32 @!p0 s3, s7;
	s7 =	simm.s32 @!p0 $0x108  }
0x21: {  	s3 =	sadd.s32 s3, s9;
	s6 =	sadd.s32 @!p0 $0x88, s6;
	s7 =	simm.s32 @p2 $0x1082  }
0x22: {  	[simem:s7], [sflag:s8] =	dma.local @!p0 [hbm:s6], $0xF7A  }
0x23: {  	s9 =	sor.u32 $0xD0000000, s2;
	s6 =	simm.s32 $0x108;
	_ =	swait.ge @!p0 [sflag:s8], $0x0  }
0x24: {  	s3 =	sadd.s32 $0x88, s3;
	s6 =	simm.s32 @!p1 $0x1082;
	[sflag:s4] =	ssyncset.s32 $0xFFFFF086  }
0x25: {  	[simem:s6], [sflag:s4] =	dma.local [hbm:s3], $0xF7A  }
0x26: {  	[smem:$0x3F94] =	sst s1;
	(tag) =	ssettag s2;
	_ =	strace s9  }
0x27: {  	s1 =	sld [smem:$0x3FA4]  }
0x28: {  	s2 =	sld [smem:$0x3FA5]  }
0x29: {  	s4 =	sld [smem:$0x3FA7]  }
0x2a: {  	p0 =	seq.s32 s5, $0x0;
	s5 =	sld [smem:$0x3FA8]  }
0x2b: {  	s6 =	sld [smem:$0x3FA9]  }
0x2c: {  	s7 =	sld [smem:$0x3FAA]  }
0x2d: {  	s3 =	simm.s32 $0x108;
	s8 =	sld [smem:$0x3FAB]  }
0x2e: {  	s3 =	simm.s32 @!p0 $0x1082;
	s9 =	sld [smem:$0x3FAC]  }
0x2f: {  	lr =	sadd.s32 s0, s3;
	s0 =	sld [smem:$0x3FA3]  }
0x30: {  	s3 =	sld [smem:$0x3FA6]  }
0x31: {  	[smem:$0x3FAF] =	sst s10  }
0x32: {  	s10 =	sld [smem:$0x3FAD];
	_ =	sdelay $0x3  }
0x33: {  	p0 =	seq.s32 s10, $0x1;
	s10 =	sld [smem:$0x3FAF];
	_ =	sdelay $0x3  }
0x34: {  	[smem:$0x3FAF] =	sst s10  }
0x35: {  	s10 =	sld [smem:$0x3FAE];
	_ =	sdelay $0x3  }
0x36: {  	p1 =	seq.s32 s10, $0x1;
	s10 =	sld [smem:$0x3FAF];
	_ =	sdelay $0x3  }
0x37: {  	[smem:$0x3FAF] =	sst s10  }
0x38: {  	s10 =	sld [smem:$0x3FB0]  }
0x39: {  	_ = 	snop;
	(pc) =	sbr.ind lr, $3  }
0x3a: {  	_ = 	snop  }
0x3b: {  	_ = 	snop  }
0x3c: {  	p2 =	seq.s32 s10, $0x1;
	s10 =	sld [smem:$0x3FAF]  }
0x3d: {  	_ =	shalt  }
0x3e: {  	_ =	shalt  }
0x3f: {  	_ =	shalt  }
0x40: {  	_ =	shalt  }
0x41: {  	_ =	shalt  }
0x42: {  	_ =	shalt  }
0x43: {  	_ =	shalt  }
0x44: {  	_ =	shalt  }
0x45: {  	_ =	shalt  }
0x46: {  	_ =	shalt  }
0x47: {  	_ =	shalt  }
0x48: {  	_ =	shalt  }
0x49: {  	_ =	shalt  }
0x4a: {  	_ =	shalt  }
0x4b: {  	_ =	shalt  }
0x4c: {  	_ =	shalt  }
0x4d: {  	_ =	shalt  }
0x4e: {  	_ =	shalt  }
0x4f: {  	_ =	shalt  }
0x50: {  	_ =	shalt  }
0x51: {  	_ =	shalt  }
0x52: {  	_ =	shalt  }
0x53: {  	_ =	shalt  }
0x54: {  	_ =	shalt  }
0x55: {  	_ =	shalt  }
0x56: {  	_ =	shalt  }
0x57: {  	_ =	shalt  }
0x58: {  	_ =	shalt  }
0x59: {  	_ =	shalt  }
0x5a: {  	_ =	shalt  }
0x5b: {  	_ =	shalt  }
0x5c: {  	_ =	shalt  }
0x5d: {  	_ =	shalt  }
0x5e: {  	_ =	shalt  }
0x5f: {  	_ =	shalt  }
0x60: {  	_ =	shalt  }
0x61: {  	_ =	shalt  }
0x62: {  	_ =	shalt  }
0x63: {  	_ =	shalt  }
0x64: {  	_ =	shalt  }
0x65: {  	_ =	shalt  }
0x66: {  	_ =	shalt  }
0x67: {  	_ =	shalt  }
0x68: {  	_ =	shalt  }
0x69: {  	_ =	shalt  }
0x6a: {  	_ =	shalt  }
0x6b: {  	_ =	shalt  }
0x6c: {  	_ =	shalt  }
0x6d: {  	_ =	shalt  }
0x6e: {  	_ =	shalt  }
0x6f: {  	_ =	shalt  }
0x70: {  	_ =	shalt  }
0x71: {  	_ =	shalt  }
0x72: {  	_ =	shalt  }
0x73: {  	_ =	shalt  }
0x74: {  	_ =	shalt  }
0x75: {  	_ =	shalt  }
0x76: {  	_ =	shalt  }
0x77: {  	_ =	shalt  }
0x78: {  	_ =	shalt  }
0x79: {  	_ =	shalt  }
0x7a: {  	_ =	shalt  }
0x7b: {  	_ =	shalt  }
0x7c: {  	_ =	shalt  }
0x7d: {  	_ =	shalt  }
0x7e: {  	_ =	shalt  }
0x7f: {  	_ =	shalt  }
0x80: {  	_ =	shalt  }
0x81: {  	_ =	shalt  }
0x82: {  	_ =	shalt  }
0x83: {  	_ =	shalt  }
0x84: {  	_ =	shalt  }
0x85: {  	_ =	shalt  }
0x86: {  	_ =	shalt  }
0x87: {  	_ =	shalt  }
.Lfunc_end0:
.L_simem_size_0:
called_computation.2_lowered:
.L_overlay_start_0:
0x88: {  	s2 =	sld [smem:$0x3FD9]  }
0x89: {  	s3 =	sld [smem:$0x3FFE];
	_ =	sdelay $0x1  }
0x8a: {  	s1 =	srdreg.scid  }
0x8b: {  	s0 =	sand.u32 $0x1, s1  }
0x8c: {  	s17 =	sshll.u32 s0, $0xA;
	s2 =	sadd.s32 s3, s2  }
0x8d: {  	s2 =	sadd.s32 s2, s17  }
0x8e: {  	[smem:$0x3FBB] =	sst s2  }
0x8f: {  	_ = 	snop  }
0x90: {  	s18 =	sld [smem:$0x3FD0];
	(tm) =	ssettm $0x1  }
0x91: {  	s19 =	sld [smem:$0x3FFB];
	_ =	sdelay $0x3  }
0x92: {  	_ =	strace s19  }
0x93: {  	s2 =	sld [smem:$0x3FFC];
	_ =	sdelay $0x3  }
0x94: {  	_ =	strace s2  }
0x95: {  	s2 =	sld [smem:$0x3FFD];
	_ =	sdelay $0x3  }
0x96: {  	_ =	strace s2  }
0x97: {  	_ =	strace $0x8FFFFFFF  }
0x98: {  	s20 =	sld [smem:$0x3FDB];
	_ =	sdelay $0x1  }
0x99: {  	s4 =	simm.s32 $_scs_section_size  }
0x9a: {  	s5 =	simm.s32 $_size__tile_overlayer_lowered;
	s6 =	simm.s32 $_tile_overlayer_lowered  }
0x9b: {  	s7 =	simm.s32 $0x1BFF;
	s21 =	sshll.u32 s6, $0x1;
	s4 =	sadd.s32 s4, s20  }
0x9c: {  	s22 =	simm.s32 $0x0;
	s5 =	sshll.u32 s5, $0x1;
	s6 =	sadd.s32 s21, s4  }
0x9d: {  	[timem:s22], [sflag:s7] =	dma.local [hbm:s6], s5  }
0x9e: {  	_ =	swait.ge [sflag:s7], s5  }
0x9f: {  	s5 =	ssub.s32 $0x0, s5;
	[sflag:s7] =	ssyncset.done $0x0  }
0xa0: {  	[sflag:s7] =	ssyncadd.s32 s5;
	_ =	sdelay $0x1  }
0xa1: {  	s23 =	simm.s32 $0x1B8B  }
0xa2: {  	_ =	swait.ge [sflag:s23], $0x1  }
0xa3: {  	[sflag:s23] =	ssyncset.done $0x0  }
0xa4: {  	[sflag:s23] =	ssyncadd.s32 $0xFFFFFFFF  }
0xa5: {  	s5 =	sld [smem:$0x0]  }
0xa6: {  	s6 =	sand.u32 $0xFFFFFFFE, s1  }
0xa7: {  	p0 =	sne.s32 s1, s6  }
0xa8: {  	s6 =	sshll.u32 @p0 s6, $0xE  }
0xa9: {  	s6 =	sadd.s32 @p0 $0x11B8D, s6;
	s7 =	sshll.u32 @p0 s5, $0x11  }
0xaa: {  	s6 =	sor.u32 @p0 s7, s6  }
0xab: {  	[sflag:s6] =	ssyncadd.remote.s32 @p0 $0x1;
	_ =	sdelay $0x1  }
0xac: {  	s6 =	simm.s32 @p0 $0x1B8D  }
0xad: {  	_ =	swait.eq @p0 [sflag:s6], $0x1  }
0xae: {  	[sflag:s6] =	ssyncadd.s32 @p0 $0xFFFFFFFF  }
0xaf: {  	s7 =	sshll.u32 @!p0 s1, $0xE  }
0xb0: {  	s7 =	sor.u32 @!p0 $0x4000, s7;
	s6 =	simm.s32 @!p0 $0x1B8D  }
0xb1: {  	s5 =	sshll.u32 @!p0 s5, $0x11;
	s7 =	sadd.s32 @!p0 $0x11B8D, s7;
	_ =	swait.eq @!p0 [sflag:s6], $0x1  }
0xb2: {  	s5 =	sor.u32 @!p0 s5, s7;
	[sflag:s6] =	ssyncadd.s32 @!p0 $0xFFFFFFFF  }
0xb3: {  	s25 =	simm.s32 $0x1B8E;
	s24 =	sld [smem:$0x3FFE];
	[sflag:s5] =	ssyncadd.remote.s32 @!p0 $0x1  }
0xb4: {  	s26 =	simm.s32 $execute0_lowered;
	[smem:$0x3FD2] =	sst s25  }
0xb5: {  	s6 =	sshll.u32 s26, $0x1;
	_ =	strace $0x8000004C;
	[dreg:$0x1] =	wrdreg $0xFFFFFFFF  }
0xb6: {  	s28 =	simm.s32 $_size_execute0_lowered;
	s4 =	sadd.s32 s4, s6;
	[dreg:$0x0] =	wrdreg $0x0  }
0xb7: {  	s6 =	sshll.u32 s28, $0x1;
	[dreg:$0x2] =	wrdreg s4  }
0xb8: {  	[dreg:$0x3] =	wrdreg s6  }
0xb9: {  	[dreg:$0x4] =	wrdreg $0xC0  }
0xba: {  	_ =	task [dreg:s22], $0x5FFFF  }
0xbb: {  	[dreg:$0x1] =	wrdreg $0xFFFFFFFF  }
0xbc: {  	[dreg:$0x0] =	wrdreg $0x60  }
0xbd: {  	[dreg:$0x2] =	wrdreg s24  }
0xbe: {  	[dreg:$0x3] =	wrdreg s18  }
0xbf: {  	[dreg:$0x4] =	wrdreg $0xB  }
0xc0: {  	_ =	task.clear_ibuf [dreg:s22], $0x5FFFF;
	_ =	strace $0x9000004C  }
0xc1: {  	s29 =	simm.s32 $0xB;
	_ =	strace $0x8000004E  }
0xc2: {  	_ =	swait.ge [sflag:s29], $0x1  }
0xc3: {  	[sflag:s29] =	ssyncadd.s32 $0xFFFFFFFF  }
0xc4: {  	_ =	strace $0x9000004E  }
0xc5: {  	_ =	sfence  }
0xc6: {  	s30 =	sld [smem:$0x0];
	_ =	sdelay $0x2  }
0xc7: {  	s31 =	sshll.u32 s1, $0xD;
	s1 =	sshrl.u32 s1, $0x2  }
0xc8: {  	s4 =	sand.u32 $0x4000, s31;
	s1 =	sadd.s32 s1, s30  }
0xc9: {  	s0 =	sor.u32 s4, s0;
	s1 =	sshll.u32 s1, $0x11  }
0xca: {  	s0 =	sor.u32 s1, s0  }
0xcb: {  	s0 =	sadd.s32 $0x8F2B, s0  }
0xcc: {  	[sflag:s0] =	ssyncadd.remote.s32 $0x1  }
0xcd: {  	_ =	sfence.sel $0xFFFF  }
0xce: {  	[dreg:$0x0] =	wrdreg $0xFFFFFFFF;
	(pc) =	sbr.abs _section_cstart, $3  }
0xcf: {  	[dreg:$0x1] =	wrdreg $0xFFFFFFFF  }
0xd0: {  	_ =	task.clear_ibuf [dreg:s22], $0x2FFFF;
	_ =	strace $0x9FFFFFFF  }
0xd1: {  	(tm) =	ssettm $0x7FFFFFFF  }
tec
execute0_lowered:
.L_overlay_start_1:
0x0: {  	(tag) =	ssettag $0x1  }
0x1: {  	s1 =	srdreg.scid  }
0x2: {  	s0 =	stileid.u32;
	s6 =	rddreg [dreg:$0x0]  }
0x3: {  	s4 =	rddreg [dreg:$0x1];
	s18 =	simm.s32 $0x880;
	s19 =	simm.s32 $0x1080  }
0x4: {  	s20 =	simm.s32 $0x1880;
	s22 =	simm.s32 $0x2080;
	s23 =	simm.s32 $0x2880  }
0x5: {  	s7 =	simm.s32 $0x3080;
	s24 =	simm.s32 $0x3880;
	s8 =	simm.s32 $0x4080  }
0x6: {  	s25 =	simm.s32 $0x4880;
	s26 =	simm.s32 $0x5080;
	s1 =	sand.u32 $0x1, s1  }
0x7: {  	s9 =	simm.s32 $0x80;
	s2 =	sshll.u32 s0, $0x7;
	s3 =	sshll.u32 s1, $0x6  }
0x8: {  	s11 =	simm.s32 $0x6080;
	s3 =	sor.u32 s3, s2;
	s2 =	simm.s32 $0x0  }
0x9: {  	s12 =	simm.s32 $0x6880;
	s13 =	simm.s32 $0x7080;
	[smem:$0x7FF] =	sst s2  }
0xa: {  	s14 =	simm.s32 $0x7880;
	_ =	strace $0x8000004D;
	[dreg:$0x5] =	wrdreg s18  }
0xb: {  	s15 =	simm.s32 $0x8080;
	s16 =	simm.s32 $0x8880;
	[dreg:$0x6] =	wrdreg s19  }
0xc: {  	s17 =	simm.s32 $0x9080;
	s28 =	simm.s32 $0xE080;
	[dreg:$0x7] =	wrdreg s20  }
0xd: {  	s29 =	simm.s32 $0xE880;
	s30 =	simm.s32 $0xF080;
	[dreg:$0x8] =	wrdreg s22  }
0xe: {  	s31 =	simm.s32 $0xF880;
	s1 =	ssub.s32 $0x2, s1;
	[dreg:$0x9] =	wrdreg s23  }
0xf: {  	s21 =	sshrl.u32 s1, $0x1;
	s5 =	sshrl.u32 s3, $0x3;
	[dreg:$0xa] =	wrdreg s7  }
0x10: {  	s3 =	sshll.u32 s3, $0x7;
	s1 =	ssub.s32 s1, s21;
	[dreg:$0xb] =	wrdreg s24  }
0x11: {  	s21 =	simm.s32 $0xB080;
	s5 =	sadd.s32 s5, s6;
	[dreg:$0xc] =	wrdreg s8  }
0x12: {  	s3 =	sadd.s32 s4, s3;
	s4 =	sadd.s32 $0x1D00, s6;
	[dreg:$0xd] =	wrdreg s25  }
0x13: {  	s7 =	smax.u32 s1, $0x1;
	s8 =	simm.s32 $0x2;
	[dreg:$0xe] =	wrdreg s26  }
0x14: {  	s18 =	simm.s32 $0x9880;
	s19 =	simm.s32 $0xA080;
	s20 =	simm.s32 $0xA880  }
0x15: {  	s22 =	simm.s32 $0xB880;
	s23 =	simm.s32 $0xC080;
	s24 =	simm.s32 $0xC880  }
0x16: {  	v2 =	vlaneseq.u32;
	s25 =	simm.s32 $0xD080;
	s26 =	simm.s32 $0xD880;
	s1 =	simm.s32 $0x1  }
0x17: {  	vm0 =	vmmov $0xffff;
	v1 =	vshrl.u32 v2, $0x3;
	s5 =	sadd.s32 $0x41E00, s5;
	[dreg:$0x4] =	wrdreg s3;
	s3 =	sadd.s32 $0x1C00, s6  }
0x18: {  	v0 =	vand.u32 $0x7, v2;
	v2 =	vor.u32 $0x8, v2;
	v1 =	vmul.u32 $0x8, v1;
	[dreg:$0x3] =	wrdreg s5;
	s5 =	sadd.s32 $0x1E00, s6;
	s6 =	sadd.s32 $0x1F00, s6  }
.LBB2_1:
0x19: {  	s0 =	rddreg [dreg:$0x3]  }
0x1a: {  	[tilespmem:s2], [sflag:$0x2] =	stream.linear.gather [hbm4b:s0+s2], $0x40, $0x38;
	[tilespmem:$0x10080] =	vst v63  }
0x1b: {  	_ =	swait.ge [sflag:s8], $0x40  }
0x1c: {  	[sflag:s8] =	ssyncset.done $0x0  }
0x1d: {  	[sflag:s8] =	ssyncadd.s32 $0xFFFFFFC0  }
0x1e: {  	v3 =	vld [tilespmem:$0x0];
	_ =	sdelay $0x4  }
0x1f: {  	v4 =	vshll.u32 v3, $0x3  }
0x20: {  	v3 =	vand.u32 $0x7, v3;
	v4 =	vand.u32 $0xFFFFFFC0, v4  }
0x21: {  	v3 =	vor.u32 v3, v4  }
0x22: {  	v4 =	vperm.xlane v3, v0;
	_ =	sdelay $0x1  }
0x23: {  	v4 =	vadd.s32 v1, v4;
	_ =	sdelay $0x4  }
0x24: {  	[tilespmem:s9], [sflag:$0x1] =	stream.indirect_vreg.gather [hbm4b:s3+s2], $0x80, v4, vm0, $0xb8;
	[tilespmem:$0x10080] =	vst v63  }
0x25: {  	s0 =	rddreg [dreg:$0x5];
	v3 =	vperm.xlane v3, v2  }
0x26: {  	[tilespmem:s0], [sflag:$0x1] =	stream.indirect_vreg.gather [hbm4b:s4+s2], $0x80, v4, vm0, $0xb8;
	[tilespmem:$0x10080] =	vst v63  }
0x27: {  	s10 =	rddreg [dreg:$0x6];
	v3 =	vadd.s32 v1, v3  }
0x28: {  	[tilespmem:s10], [sflag:$0x1] =	stream.indirect_vreg.gather [hbm4b:s5+s2], $0x80, v4, vm0, $0xb8;
	[tilespmem:$0x10080] =	vst v63  }
0x29: {  	s0 =	rddreg [dreg:$0x7]  }
0x2a: {  	[tilespmem:s0], [sflag:$0x1] =	stream.indirect_vreg.gather [hbm4b:s6+s2], $0x80, v4, vm0, $0xb8;
	[tilespmem:$0x10080] =	vst v63  }
0x2b: {  	s10 =	rddreg [dreg:$0x8]  }
0x2c: {  	[tilespmem:s10], [sflag:$0x1] =	stream.indirect_vreg.gather [hbm4b:s3+s2], $0x80, v3, vm0, $0xb8;
	[tilespmem:$0x10080] =	vst v63  }
0x2d: {  	s0 =	rddreg [dreg:$0x9]  }
0x2e: {  	[tilespmem:s0], [sflag:$0x1] =	stream.indirect_vreg.gather [hbm4b:s4+s2], $0x80, v3, vm0, $0xb8;
	[tilespmem:$0x10080] =	vst v63  }
0x2f: {  	s10 =	rddreg [dreg:$0xa]  }
0x30: {  	[tilespmem:s10], [sflag:$0x1] =	stream.indirect_vreg.gather [hbm4b:s5+s2], $0x80, v3, vm0, $0xb8;
	[tilespmem:$0x10080] =	vst v63  }
0x31: {  	s0 =	rddreg [dreg:$0xb]  }
0x32: {  	[tilespmem:s0], [sflag:$0x1] =	stream.indirect_vreg.gather [hbm4b:s6+s2], $0x80, v3, vm0, $0xb8;
	[tilespmem:$0x10080] =	vst v63  }
0x33: {  	v3 =	vld [tilespmem:$0x10];
	_ =	sdelay $0x4  }
0x34: {  	v61 =	vshll.u32 v3, $0x3  }
0x35: {  	v3 =	vand.u32 $0x7, v3;
	v4 =	vand.u32 $0xFFFFFFC0, v61  }
0x36: {  	v3 =	vor.u32 v3, v4  }
0x37: {  	v4 =	vperm.xlane v3, v0;
	_ =	sdelay $0x1  }
0x38: {  	v4 =	vadd.s32 v1, v4;
	_ =	sdelay $0x3  }
0x39: {  	s0 =	rddreg [dreg:$0xc]  }
0x3a: {  	[tilespmem:s0], [sflag:$0x1] =	stream.indirect_vreg.gather [hbm4b:s3+s2], $0x80, v4, vm0, $0xb8;
	[tilespmem:$0x10080] =	vst v63  }
0x3b: {  	s10 =	rddreg [dreg:$0xd];
	v3 =	vperm.xlane v3, v2  }
0x3c: {  	[tilespmem:s10], [sflag:$0x1] =	stream.indirect_vreg.gather [hbm4b:s4+s2], $0x80, v4, vm0, $0xb8;
	[tilespmem:$0x10080] =	vst v63  }
0x3d: {  	v3 =	vadd.s32 v1, v3;
	s0 =	rddreg [dreg:$0xe]  }
0x3e: {  	[tilespmem:s0], [sflag:$0x1] =	stream.indirect_vreg.gather [hbm4b:s5+s2], $0x80, v4, vm0, $0xb8;
	[tilespmem:$0x10080] =	vst v63  }
0x3f: {  	s10 =	simm.s32 $0x5880  }
0x40: {  	[tilespmem:s10], [sflag:$0x1] =	stream.indirect_vreg.gather [hbm4b:s6+s2], $0x80, v4, vm0, $0xb8;
	[tilespmem:$0x10080] =	vst v63  }
0x41: {  	_ = 	snop  }
0x42: {  	[tilespmem:s11], [sflag:$0x1] =	stream.indirect_vreg.gather [hbm4b:s3+s2], $0x80, v3, vm0, $0xb8;
	[tilespmem:$0x10080] =	vst v63  }
0x43: {  	_ = 	snop  }
0x44: {  	[tilespmem:s12], [sflag:$0x1] =	stream.indirect_vreg.gather [hbm4b:s4+s2], $0x80, v3, vm0, $0xb8;
	[tilespmem:$0x10080] =	vst v63  }
0x45: {  	_ = 	snop  }
0x46: {  	[tilespmem:s13], [sflag:$0x1] =	stream.indirect_vreg.gather [hbm4b:s5+s2], $0x80, v3, vm0, $0xb8;
	[tilespmem:$0x10080] =	vst v63  }
0x47: {  	_ = 	snop  }
0x48: {  	[tilespmem:s14], [sflag:$0x1] =	stream.indirect_vreg.gather [hbm4b:s6+s2], $0x80, v3, vm0, $0xb8;
	[tilespmem:$0x10080] =	vst v63  }
0x49: {  	v3 =	vld [tilespmem:$0x20];
	_ =	sdelay $0x4  }
0x4a: {  	v62 =	vshll.u32 v3, $0x3  }
0x4b: {  	v3 =	vand.u32 $0x7, v3;
	v4 =	vand.u32 $0xFFFFFFC0, v62  }
0x4c: {  	v3 =	vor.u32 v3, v4  }
0x4d: {  	v4 =	vperm.xlane v3, v0;
	_ =	sdelay $0x1  }
0x4e: {  	v4 =	vadd.s32 v1, v4;
	_ =	sdelay $0x4  }
0x4f: {  	[tilespmem:s15], [sflag:$0x1] =	stream.indirect_vreg.gather [hbm4b:s3+s2], $0x80, v4, vm0, $0xb8;
	[tilespmem:$0x10080] =	vst v63  }
0x50: {  	v3 =	vperm.xlane v3, v2  }
0x51: {  	[tilespmem:s16], [sflag:$0x1] =	stream.indirect_vreg.gather [hbm4b:s4+s2], $0x80, v4, vm0, $0xb8;
	[tilespmem:$0x10080] =	vst v63  }
0x52: {  	v3 =	vadd.s32 v1, v3  }
0x53: {  	[tilespmem:s17], [sflag:$0x1] =	stream.indirect_vreg.gather [hbm4b:s5+s2], $0x80, v4, vm0, $0xb8;
	[tilespmem:$0x10080] =	vst v63  }
0x54: {  	_ = 	snop  }
0x55: {  	[tilespmem:s18], [sflag:$0x1] =	stream.indirect_vreg.gather [hbm4b:s6+s2], $0x80, v4, vm0, $0xb8;
	[tilespmem:$0x10080] =	vst v63  }
0x56: {  	_ = 	snop  }
0x57: {  	[tilespmem:s19], [sflag:$0x1] =	stream.indirect_vreg.gather [hbm4b:s3+s2], $0x80, v3, vm0, $0xb8;
	[tilespmem:$0x10080] =	vst v63  }
0x58: {  	_ = 	snop  }
0x59: {  	[tilespmem:s20], [sflag:$0x1] =	stream.indirect_vreg.gather [hbm4b:s4+s2], $0x80, v3, vm0, $0xb8;
	[tilespmem:$0x10080] =	vst v63  }
0x5a: {  	_ = 	snop  }
0x5b: {  	[tilespmem:s21], [sflag:$0x1] =	stream.indirect_vreg.gather [hbm4b:s5+s2], $0x80, v3, vm0, $0xb8;
	[tilespmem:$0x10080] =	vst v63  }
0x5c: {  	_ = 	snop  }
0x5d: {  	[tilespmem:s22], [sflag:$0x1] =	stream.indirect_vreg.gather [hbm4b:s6+s2], $0x80, v3, vm0, $0xb8;
	[tilespmem:$0x10080] =	vst v63  }
0x5e: {  	v3 =	vld [tilespmem:$0x30];
	_ =	sdelay $0x4  }
0x5f: {  	v63 =	vshll.u32 v3, $0x3  }
0x60: {  	v3 =	vand.u32 $0x7, v3;
	v4 =	vand.u32 $0xFFFFFFC0, v63  }
0x61: {  	v3 =	vor.u32 v3, v4  }
0x62: {  	v4 =	vperm.xlane v3, v0;
	_ =	sdelay $0x1  }
0x63: {  	v4 =	vadd.s32 v1, v4;
	_ =	sdelay $0x4  }
0x64: {  	[tilespmem:s23], [sflag:$0x1] =	stream.indirect_vreg.gather [hbm4b:s3+s2], $0x80, v4, vm0, $0xb8;
	[tilespmem:$0x10080] =	vst v63  }
0x65: {  	v3 =	vperm.xlane v3, v2  }
0x66: {  	[tilespmem:s24], [sflag:$0x1] =	stream.indirect_vreg.gather [hbm4b:s4+s2], $0x80, v4, vm0, $0xb8;
	[tilespmem:$0x10080] =	vst v63  }
0x67: {  	v3 =	vadd.s32 v1, v3  }
0x68: {  	[tilespmem:s25], [sflag:$0x1] =	stream.indirect_vreg.gather [hbm4b:s5+s2], $0x80, v4, vm0, $0xb8;
	[tilespmem:$0x10080] =	vst v63  }
0x69: {  	_ = 	snop  }
0x6a: {  	[tilespmem:s26], [sflag:$0x1] =	stream.indirect_vreg.gather [hbm4b:s6+s2], $0x80, v4, vm0, $0xb8;
	[tilespmem:$0x10080] =	vst v63  }
0x6b: {  	_ = 	snop  }
0x6c: {  	[tilespmem:s28], [sflag:$0x1] =	stream.indirect_vreg.gather [hbm4b:s3+s2], $0x80, v3, vm0, $0xb8;
	[tilespmem:$0x10080] =	vst v63  }
0x6d: {  	_ = 	snop  }
0x6e: {  	[tilespmem:s29], [sflag:$0x1] =	stream.indirect_vreg.gather [hbm4b:s4+s2], $0x80, v3, vm0, $0xb8;
	[tilespmem:$0x10080] =	vst v63  }
0x6f: {  	_ = 	snop  }
0x70: {  	[tilespmem:s30], [sflag:$0x1] =	stream.indirect_vreg.gather [hbm4b:s5+s2], $0x80, v3, vm0, $0xb8;
	[tilespmem:$0x10080] =	vst v63  }
0x71: {  	_ = 	snop  }
0x72: {  	[tilespmem:s31], [sflag:$0x1] =	stream.indirect_vreg.gather [hbm4b:s6+s2], $0x80, v3, vm0, $0xb8;
	[tilespmem:$0x10080] =	vst v63  }
0x73: {  	_ =	swait.ge [sflag:s1], $0x10000  }
0x74: {  	p0 =	sne.s32 s7, $0x1;
	[sflag:s1] =	ssyncset.done $0x0  }
.Ltmp0:
0x75: {  	s10 =	rddreg [dreg:$0x4];
	[sflag:s1] =	ssyncadd.s32 $0xFFFF0000;
	(pc) =	sbr.rel @p0 .LBB2_1-.Ltmp0, $4  }
0x76: {  	[hbm4b:s10+s2] =	stream.linear.scatter [tilespmem:s9], [sflag:$0x2], $0x10000, $0x38;
	[tilespmem:$0x10080] =	vst v63  }
0x77: {  	_ =	swait.ge [sflag:s8], $0x10000  }
0x78: {  	[sflag:s8] =	ssyncset.done $0x0  }
0x79: {  	s7 =	sadd.s32 $0xFFFFFFFF, s7;
	[sflag:s8] =	ssyncadd.s32 $0xFFFF0000  }
0x7a: {  	_ =	sfence.sel $0x180000  }
0x7b: {  	[bflag:$0x0] =	sbarrier.arrive $0xFFFF  }
0x7c: {  	_ =	strace $0x9000004D  }
0x7d: {  	s0 =	stileid.u32;
	[bflag:$0x2] =	sbarrier.arrive $0xFFFF  }
0x7e: {  	p0 =	sne.s32 s0, $0x0;
	s0 =	rddreg [dreg:$0x2]  }
0x7f: {  	s0 =	sadd.s32 @!p0 $0x100000, s0  }
0x80: {  	[sflag:s0] =	ssyncadd.tile.s32 @!p0 $0x1;
	_ =	shalt  }
.Lfunc_end2:
_tile_overlayer_lowered:
.L_overlay_start_2:
0x81: {  	(tag) =	ssettag $0x2  }
0x82: {  	s0 =	rddreg [dreg:$0x0];
	s2 =	stileid.u32  }
0x83: {  	s1 =	rddreg [dreg:$0x1];
	p0 =	sne.s32 s2, $0x0  }
0x84: {  	s3 =	rddreg [dreg:$0x2];
	[bflag:$0x3] =	sbarrier.arrive $0xFFFF;
	s2 =	simm.s32 @!p0 $0x1C02  }
0x85: {  	[timem:s3], [sflag:s2] =	dma.local @!p0 [hbm:s0], s1  }
0x86: {  	s0 =	simm.s32 @!p0 $0x2  }
0x87: {  	_ =	swait.ge @!p0 [sflag:s0], s1  }
0x88: {  	s1 =	ssub.s32 @!p0 $0x0, s1;
	[sflag:s0] =	ssyncset.done @!p0 $0x0  }
0x89: {  	[sflag:s0] =	ssyncadd.s32 @!p0 s1  }
0x8a: {  	[bflag:$0x3] =	sbarrier.arrive $0xFFFF  }
0x8b: {  	_ =	shalt  }

</sc_bundles>
